<compile_context>
chip_gen: v7x
topology: tpu7x:2x2x1
jax: 0.10.2.dev20260603
libtpu: 0.0.44.dev20260713+nightly
codegen_flags: <defaults>
</compile_context>

<pallas_src>
import functools

import jax
import jax.numpy as jnp
from jax.experimental import pallas as pl
from jax.experimental.pallas import tpu as pltpu
from jax.experimental.pallas import tpu_sc as plsc

_C = 384
_RED = 16
_D = max(_C // _RED, 4)
_B = 16
_H = 28
_W = 28
_HW = _H * _W
_TOPK = int(_C * 0.15)
_HALF = 2
_CHUNK = 112
_NCHUNK = _HW // _CHUNK
_L = 16
_NV = _C // _L


def _stats_kernel(xt_ref, w1_ref, w2_ref,
                  m_ref, mhraw_ref, mwm2_ref, lam_ref,
                  ssum_ref, smax_ref, sidx_ref):
    j = pl.program_id(0)
    xc = xt_ref[...]

    csum = jnp.sum(xc, axis=0)
    cmax = jnp.max(xc, axis=0)
    pidx = (jax.lax.broadcasted_iota(jnp.int32, (_CHUNK, 1, 1), 0)
            + j * _CHUNK)
    cidx = jnp.min(jnp.where(xc == cmax[None], pidx, _HW), axis=0)

    @pl.when(j == 0)
    def _():
        ssum_ref[...] = csum
        smax_ref[...] = cmax
        sidx_ref[...] = cidx

    @pl.when(j > 0)
    def _():
        upd = cmax > smax_ref[...]
        sidx_ref[...] = jnp.where(upd, cidx, sidx_ref[...])
        smax_ref[...] = jnp.maximum(smax_ref[...], cmax)
        ssum_ref[...] = ssum_ref[...] + csum

    @pl.when(j == _NCHUNK - 1)
    def _():
        pooled = ssum_ref[...] * (1.0 / _HW)
        hid = jax.lax.dot_general(
            pooled, w1_ref[...], (((1,), (1,)), ((), ())),
            preferred_element_type=jnp.float32)
        hid = jnp.maximum(hid, 0.0)
        m_ref[...] = jax.nn.sigmoid(jax.lax.dot_general(
            hid, w2_ref[...], (((1,), (1,)), ((), ())),
            preferred_element_type=jnp.float32))

        amax = sidx_ref[...]
        mh = amax // _W
        mw = amax - mh * _W
        h1 = jnp.maximum(mh - _HALF, 0)
        h2 = jnp.minimum(mh + _HALF, _H - 1)
        w1 = jnp.maximum(mw - _HALF, 0)
        w2 = jnp.minimum(mw + _HALF, _W - 1)
        nzero = (h2 - h1 + 1) * (w2 - w1 + 1)
        lam_ref[...] = _HW / (_HW - nzero.astype(jnp.float32))
        mhraw_ref[...] = mh - _HALF
        mwm2_ref[...] = mw - _HALF


_sc_mesh = plsc.VectorSubcoreMesh(core_axis_name="c", subcore_axis_name="s")


@functools.partial(
    pl.kernel, mesh=_sc_mesh,
    out_type=[jax.ShapeDtypeStruct((_B, _C), jnp.float32),
              jax.ShapeDtypeStruct((_B, _C), jnp.int32)],
    scratch_types=[pltpu.VMEM((_C,), jnp.float32),
                   pltpu.VMEM((_C,), jnp.int32),
                   pltpu.VMEM((_C,), jnp.float32),
                   pltpu.VMEM((_C,), jnp.float32),
                   pltpu.VMEM((_C,), jnp.int32)],
    compiler_params=pltpu.CompilerParams(needs_layout_passes=False),
)
def _sc_select(m_hbm, mhraw_hbm, lam_hbm, scale0_hbm, mhm2_hbm,
               m_v, mhraw_v, lam_v, s0_v, mh_v):
    cid = jax.lax.axis_index("c")
    sid = jax.lax.axis_index("s")

    @pl.when(cid == 0)
    def _():
        pltpu.sync_copy(m_hbm.at[sid], m_v)
        pltpu.sync_copy(mhraw_hbm.at[sid], mhraw_v)
        pltpu.sync_copy(lam_hbm.at[sid], lam_v)

        def count_ge(t):
            cnt = jnp.zeros((_L,), jnp.int32)
            for v in range(_NV):
                bits = plsc.bitcast(m_v[pl.ds(v * _L, _L)], jnp.int32)
                cnt = cnt + plsc.all_reduce_population_count(bits >= t)
            return cnt

        def body_p(k, p):
            t = p | (1 << (29 - k))
            return jnp.where(count_ge(t) >= _TOPK, t, p)
        p = jax.lax.fori_loop(0, 30, body_p,
                              jnp.zeros((_L,), jnp.int32))

        n_gt = count_ge(p + 1)
        needed = _TOPK - n_gt

        def count_eq_idx_ge(t2):
            cnt = jnp.zeros((_L,), jnp.int32)
            for v in range(_NV):
                bits = plsc.bitcast(m_v[pl.ds(v * _L, _L)], jnp.int32)
                idxv = jax.lax.iota(jnp.int32, _L) + v * _L
                cnt = cnt + plsc.all_reduce_population_count(
                    (bits == p) & (idxv >= t2))
            return cnt

        def body_s(k, s):
            t2 = s | (1 << (8 - k))
            return jnp.where(count_eq_idx_ge(t2) >= needed, t2, s)
        s = jax.lax.fori_loop(0, 9, body_s,
                              jnp.zeros((_L,), jnp.int32))

        for v in range(_NV):
            sl = pl.ds(v * _L, _L)
            bits = plsc.bitcast(m_v[sl], jnp.int32)
            idxv = jax.lax.iota(jnp.int32, _L) + v * _L
            sel = (bits > p) | ((bits == p) & (idxv >= s))
            s0_v[sl] = jnp.where(sel, lam_v[sl], 1.0)
            mh_v[sl] = jnp.where(sel, mhraw_v[sl], 10 * _H)

        pltpu.sync_copy(s0_v, scale0_hbm.at[sid])
        pltpu.sync_copy(mh_v, mhm2_hbm.at[sid])


def _apply_kernel(xt_ref, scale0_ref, mhm2_ref, mwm2_ref, out_ref):
    j = pl.program_id(0)
    xc = xt_ref[...]
    pidx = (jax.lax.broadcasted_iota(jnp.int32, (_CHUNK, 1, 1), 0)
            + j * _CHUNK)
    rj = pidx // _W
    cj = pidx - rj * _W
    in_h = (rj - mhm2_ref[...][None]).astype(jnp.uint32) <= 2 * _HALF
    in_w = (cj - mwm2_ref[...][None]).astype(jnp.uint32) <= 2 * _HALF
    drop = in_h & in_w
    out_ref[...] = jnp.where(drop, 0.0, xc * scale0_ref[...][None])


def kernel(x, W1, W2):
    B, C, H, W = x.shape
    xt = jnp.transpose(x.reshape(B, C, H * W), (2, 0, 1))

    m, mhraw, mwm2, lam = pl.pallas_call(
        _stats_kernel,
        grid=(_NCHUNK,),
        in_specs=[
            pl.BlockSpec((_CHUNK, B, C), lambda j: (j, 0, 0)),
            pl.BlockSpec((_D, C), lambda j: (0, 0)),
            pl.BlockSpec((C, _D), lambda j: (0, 0)),
        ],
        out_specs=[
            pl.BlockSpec((B, C), lambda j: (0, 0)),
            pl.BlockSpec((B, C), lambda j: (0, 0)),
            pl.BlockSpec((B, C), lambda j: (0, 0)),
            pl.BlockSpec((B, C), lambda j: (0, 0)),
        ],
        out_shape=[
            jax.ShapeDtypeStruct((B, C), jnp.float32),
            jax.ShapeDtypeStruct((B, C), jnp.int32),
            jax.ShapeDtypeStruct((B, C), jnp.int32),
            jax.ShapeDtypeStruct((B, C), jnp.float32),
        ],
        scratch_shapes=[
            pltpu.VMEM((B, C), jnp.float32),
            pltpu.VMEM((B, C), jnp.float32),
            pltpu.VMEM((B, C), jnp.int32),
        ],
        compiler_params=pltpu.CompilerParams(
            dimension_semantics=("arbitrary",)),
    )(xt, W1, W2)

    scale0, mhm2 = _sc_select(m, mhraw, lam)

    out_t = pl.pallas_call(
        _apply_kernel,
        grid=(_NCHUNK,),
        in_specs=[
            pl.BlockSpec((_CHUNK, B, C), lambda j: (j, 0, 0)),
            pl.BlockSpec((B, C), lambda j: (0, 0)),
            pl.BlockSpec((B, C), lambda j: (0, 0)),
            pl.BlockSpec((B, C), lambda j: (0, 0)),
        ],
        out_specs=pl.BlockSpec((_CHUNK, B, C), lambda j: (j, 0, 0)),
        out_shape=jax.ShapeDtypeStruct((H * W, B, C), jnp.float32),
        compiler_params=pltpu.CompilerParams(
            dimension_semantics=("arbitrary",)),
    )(xt, scale0, mhm2, mwm2)

    return jnp.transpose(out_t, (1, 2, 0)).reshape(B, C, H, W)

# --- scband reference (transcript-rebuilt; emitter-appended) ---
"""Pipeline reference for scband-target-drop-36009005810158 (READ-ONLY COPY).

The authoritative reference and input builder live on the scoring server;
editing this copy changes nothing except your own understanding.
"""

import jax, jax.numpy as jnp
import numpy as np

CH = 384
RED = 16
DROP_PROB = 0.15
DROP_BLOCK = 5
TOPK = int(CH * DROP_PROB)


def setup_inputs(seed: int = 0) -> dict:
    key = jax.random.key(seed)
    k1, k2, k3 = jax.random.split(key, 3)
    x = jax.random.normal(k1, (16, CH, 28, 28), dtype=jnp.float32)
    d = max(CH // RED, 4)
    # kaiming_normal fan_out for 1x1 convs: std = sqrt(2 / out_channels)
    W1 = jax.random.normal(k2, (d, CH), dtype=jnp.float32) * np.sqrt(2.0 / d)
    W2 = jax.random.normal(k3, (CH, d), dtype=jnp.float32) * np.sqrt(2.0 / CH)
    return {"x": x, "W1": W1, "W2": W2}


def reference(x, W1, W2):
    # training-mode forward of TargetDrop (eval mode is identity)
    B, C, h, w = x.shape
    # --- SEModule: avg_pool -> 1x1 conv (no bias) -> relu -> 1x1 conv -> sigmoid ---
    pooled = jnp.mean(x, axis=(2, 3))                      # [B, C]
    hid = jax.nn.relu(pooled @ W1.T)                       # [B, d]
    M = jax.nn.sigmoid(hid @ W2.T)                         # [B, C]
    # --- Select_TopK: argsort descending, scatter ones ---
    top_k = TOPK
    order = jnp.argsort(M, axis=1)[:, ::-1]
    topk_idx = order[:, :top_k]                            # [B, top_k]
    T = jnp.zeros_like(M).at[jnp.arange(B)[:, None], topk_idx].set(1.0)  # [B, C]
    # --- Apply_Mask ---
    xf = x.reshape(-1, h, w)                               # [B*C, h, w]
    Tf = T.reshape(-1)                                     # [B*C]
    index = jnp.nonzero(Tf, size=B * top_k)[0]             # exactly B*top_k nonzeros
    x_mask = xf[index]                                     # [B*top_k, h, w]
    flat = x_mask.reshape(x_mask.shape[0], -1)
    max_index = jnp.argmax(flat, axis=1)
    mh = max_index // w
    mw = max_index % w
    half = np.floor(DROP_BLOCK / 2.0)
    h1 = jnp.clip(mh - half, 0, h - 1).astype(jnp.int32)
    h2 = jnp.clip(mh + half, 0, h - 1).astype(jnp.int32)
    w1 = jnp.clip(mw - half, 0, w - 1).astype(jnp.int32)
    w2 = jnp.clip(mw + half, 0, w - 1).astype(jnp.int32)
    rows = jnp.arange(h)
    cols = jnp.arange(w)
    in_h = (rows[None, :] >= h1[:, None]) & (rows[None, :] <= h2[:, None])
    in_w = (cols[None, :] >= w1[:, None]) & (cols[None, :] <= w2[:, None])
    block = in_h[:, :, None] & in_w[:, None, :]            # [B*top_k, h, w]
    S = jnp.where(block, 0.0, 1.0)
    lam = (h * w) / jnp.sum(S.reshape(S.shape[0], -1), axis=-1)
    x_mask_new = x_mask * S * lam[:, None, None]
    xf = xf.at[index].set(x_mask_new)
    return xf.reshape(B, C, h, w)

if __name__ == "__main__":
    import jax
    _d = setup_inputs()
    print(jax.jit(kernel)(*tuple(_d.values())))

</pallas_src>

<mosaic_0001>
#map = affine_map<(d0, d1) -> (0, 0)>
module attributes {stable_mosaic.version = 14 : i64} {
  func.func @_sc_select(%arg0: i32, %arg1: i32, %arg2: memref<16x384xf32, #tpu.memory_space<hbm>>, %arg3: memref<16x384xi32, #tpu.memory_space<hbm>>, %arg4: memref<16x384xf32, #tpu.memory_space<hbm>>, %arg5: memref<16x384xf32, #tpu.memory_space<hbm>>, %arg6: memref<16x384xi32, #tpu.memory_space<hbm>>, %arg7: memref<384xf32, #tpu.memory_space<vmem>>, %arg8: memref<384xi32, #tpu.memory_space<vmem>>, %arg9: memref<384xf32, #tpu.memory_space<vmem>>, %arg10: memref<384xf32, #tpu.memory_space<vmem>>, %arg11: memref<384xi32, #tpu.memory_space<vmem>>) attributes {dimension_semantics = [#tpu.dimension_semantics<core_parallel>, #tpu.dimension_semantics<subcore_parallel>], iteration_bounds = array<i64: 2, 16>, scalar_prefetch = 0 : i64, scratch_operands = 5 : i64, tpu.core_type = #tpu.core_type<sc_vector_subcore>, window_params = [{transform_indices = #map}, {transform_indices = #map}, {transform_indices = #map}, {transform_indices = #map}, {transform_indices = #map}]} {
    %eq3A = arith.constant 0 : i32
    %eq3A_0 = arith.cmpi eq, %arg0, %eq3A : i32
    %convert_element_type3A = arith.extui %eq3A_0 : i1 to i32
    %cond3A = arith.constant 0 : i32
    %cond3A_1 = arith.cmpi ne, %convert_element_type3A, %cond3A : i32
    scf.if %cond3A_1 {
      "tpu.region"() ({
        %run_scoped3A = tpu.sem_alloc : memref<!tpu.dma_semaphore, #tpu.memory_space<semaphore_mem>>
        %dma_start3A = arith.constant 0 : i32
        %dma_start3A_779 = tpu.memref_slice %arg2[%arg1, %dma_start3A] : memref<16x384xf32, #tpu.memory_space<hbm>> -> memref<1x384xf32, #tpu.memory_space<hbm>>
        %dma_start3A_780 = tpu.memref_squeeze %dma_start3A_779 : memref<1x384xf32, #tpu.memory_space<hbm>> -> memref<384xf32, #tpu.memory_space<hbm>>
        %dma_start3A_781 = arith.constant 0 : i32
        %dma_start3A_782 = tpu.memref_slice %arg2[%arg1, %dma_start3A_781] : memref<16x384xf32, #tpu.memory_space<hbm>> -> memref<1x384xf32, #tpu.memory_space<hbm>>
        %dma_start3A_783 = tpu.memref_squeeze %dma_start3A_782 : memref<1x384xf32, #tpu.memory_space<hbm>> -> memref<384xf32, #tpu.memory_space<hbm>>
        tpu.enqueue_dma source(%dma_start3A_783 : memref<384xf32, #tpu.memory_space<hbm>>) target(%arg7 : memref<384xf32, #tpu.memory_space<vmem>>) target_semaphore(%run_scoped3A : memref<!tpu.dma_semaphore, #tpu.memory_space<semaphore_mem>>)
        %dma_wait3A = arith.constant 0 : i32
        %dma_wait3A_784 = tpu.memref_slice %arg2[%arg1, %dma_wait3A] : memref<16x384xf32, #tpu.memory_space<hbm>> -> memref<1x384xf32, #tpu.memory_space<hbm>>
        %dma_wait3A_785 = tpu.memref_squeeze %dma_wait3A_784 : memref<1x384xf32, #tpu.memory_space<hbm>> -> memref<384xf32, #tpu.memory_space<hbm>>
        %dma_wait3A_786 = arith.constant 0 : i32
        %dma_wait3A_787 = tpu.memref_slice %arg2[%arg1, %dma_wait3A_786] : memref<16x384xf32, #tpu.memory_space<hbm>> -> memref<1x384xf32, #tpu.memory_space<hbm>>
        %dma_wait3A_788 = tpu.memref_squeeze %dma_wait3A_787 : memref<1x384xf32, #tpu.memory_space<hbm>> -> memref<384xf32, #tpu.memory_space<hbm>>
        tpu.wait_dma2 semaphore(%run_scoped3A : memref<!tpu.dma_semaphore, #tpu.memory_space<semaphore_mem>>) src(%dma_wait3A_788 : memref<384xf32, #tpu.memory_space<hbm>>) dst(%arg7 : memref<384xf32, #tpu.memory_space<vmem>>)
        tpu.yield
      }) : () -> ()
      "tpu.region"() ({
        %run_scoped3A = tpu.sem_alloc : memref<!tpu.dma_semaphore, #tpu.memory_space<semaphore_mem>>
        %dma_start3A = arith.constant 0 : i32
        %dma_start3A_779 = tpu.memref_slice %arg3[%arg1, %dma_start3A] : memref<16x384xi32, #tpu.memory_space<hbm>> -> memref<1x384xi32, #tpu.memory_space<hbm>>
        %dma_start3A_780 = tpu.memref_squeeze %dma_start3A_779 : memref<1x384xi32, #tpu.memory_space<hbm>> -> memref<384xi32, #tpu.memory_space<hbm>>
        %dma_start3A_781 = arith.constant 0 : i32
        %dma_start3A_782 = tpu.memref_slice %arg3[%arg1, %dma_start3A_781] : memref<16x384xi32, #tpu.memory_space<hbm>> -> memref<1x384xi32, #tpu.memory_space<hbm>>
        %dma_start3A_783 = tpu.memref_squeeze %dma_start3A_782 : memref<1x384xi32, #tpu.memory_space<hbm>> -> memref<384xi32, #tpu.memory_space<hbm>>
        tpu.enqueue_dma source(%dma_start3A_783 : memref<384xi32, #tpu.memory_space<hbm>>) target(%arg8 : memref<384xi32, #tpu.memory_space<vmem>>) target_semaphore(%run_scoped3A : memref<!tpu.dma_semaphore, #tpu.memory_space<semaphore_mem>>)
        %dma_wait3A = arith.constant 0 : i32
        %dma_wait3A_784 = tpu.memref_slice %arg3[%arg1, %dma_wait3A] : memref<16x384xi32, #tpu.memory_space<hbm>> -> memref<1x384xi32, #tpu.memory_space<hbm>>
        %dma_wait3A_785 = tpu.memref_squeeze %dma_wait3A_784 : memref<1x384xi32, #tpu.memory_space<hbm>> -> memref<384xi32, #tpu.memory_space<hbm>>
        %dma_wait3A_786 = arith.constant 0 : i32
        %dma_wait3A_787 = tpu.memref_slice %arg3[%arg1, %dma_wait3A_786] : memref<16x384xi32, #tpu.memory_space<hbm>> -> memref<1x384xi32, #tpu.memory_space<hbm>>
        %dma_wait3A_788 = tpu.memref_squeeze %dma_wait3A_787 : memref<1x384xi32, #tpu.memory_space<hbm>> -> memref<384xi32, #tpu.memory_space<hbm>>
        tpu.wait_dma2 semaphore(%run_scoped3A : memref<!tpu.dma_semaphore, #tpu.memory_space<semaphore_mem>>) src(%dma_wait3A_788 : memref<384xi32, #tpu.memory_space<hbm>>) dst(%arg8 : memref<384xi32, #tpu.memory_space<vmem>>)
        tpu.yield
      }) : () -> ()
      "tpu.region"() ({
        %run_scoped3A = tpu.sem_alloc : memref<!tpu.dma_semaphore, #tpu.memory_space<semaphore_mem>>
        %dma_start3A = arith.constant 0 : i32
        %dma_start3A_779 = tpu.memref_slice %arg4[%arg1, %dma_start3A] : memref<16x384xf32, #tpu.memory_space<hbm>> -> memref<1x384xf32, #tpu.memory_space<hbm>>
        %dma_start3A_780 = tpu.memref_squeeze %dma_start3A_779 : memref<1x384xf32, #tpu.memory_space<hbm>> -> memref<384xf32, #tpu.memory_space<hbm>>
        %dma_start3A_781 = arith.constant 0 : i32
        %dma_start3A_782 = tpu.memref_slice %arg4[%arg1, %dma_start3A_781] : memref<16x384xf32, #tpu.memory_space<hbm>> -> memref<1x384xf32, #tpu.memory_space<hbm>>
        %dma_start3A_783 = tpu.memref_squeeze %dma_start3A_782 : memref<1x384xf32, #tpu.memory_space<hbm>> -> memref<384xf32, #tpu.memory_space<hbm>>
        tpu.enqueue_dma source(%dma_start3A_783 : memref<384xf32, #tpu.memory_space<hbm>>) target(%arg9 : memref<384xf32, #tpu.memory_space<vmem>>) target_semaphore(%run_scoped3A : memref<!tpu.dma_semaphore, #tpu.memory_space<semaphore_mem>>)
        %dma_wait3A = arith.constant 0 : i32
        %dma_wait3A_784 = tpu.memref_slice %arg4[%arg1, %dma_wait3A] : memref<16x384xf32, #tpu.memory_space<hbm>> -> memref<1x384xf32, #tpu.memory_space<hbm>>
        %dma_wait3A_785 = tpu.memref_squeeze %dma_wait3A_784 : memref<1x384xf32, #tpu.memory_space<hbm>> -> memref<384xf32, #tpu.memory_space<hbm>>
        %dma_wait3A_786 = arith.constant 0 : i32
        %dma_wait3A_787 = tpu.memref_slice %arg4[%arg1, %dma_wait3A_786] : memref<16x384xf32, #tpu.memory_space<hbm>> -> memref<1x384xf32, #tpu.memory_space<hbm>>
        %dma_wait3A_788 = tpu.memref_squeeze %dma_wait3A_787 : memref<1x384xf32, #tpu.memory_space<hbm>> -> memref<384xf32, #tpu.memory_space<hbm>>
        tpu.wait_dma2 semaphore(%run_scoped3A : memref<!tpu.dma_semaphore, #tpu.memory_space<semaphore_mem>>) src(%dma_wait3A_788 : memref<384xf32, #tpu.memory_space<hbm>>) dst(%arg9 : memref<384xf32, #tpu.memory_space<vmem>>)
        tpu.yield
      }) : () -> ()
      %broadcast_in_dim3A = arith.constant 0 : i32
      %broadcast_in_dim3A_2 = vector.broadcast %broadcast_in_dim3A : i32 to vector<16xi32>
      %scan3A = arith.constant 0 : i32
      %scan3A_3 = arith.constant 30 : i32
      %scan3A_4 = arith.addi %scan3A, %scan3A_3 : i32
      %scan3A_5 = arith.constant 1 : i32
      %scan3A_6 = scf.for %scan3A_779 = %scan3A to %scan3A_4 step %scan3A_5 iter_args(%scan3A_780 = %broadcast_in_dim3A_2) -> (vector<16xi32>)  : i32 {
        %sub3A_781 = arith.constant 29 : i32
        %sub3A_782 = arith.subi %sub3A_781, %scan3A_779 : i32
        %shift_left3A = arith.constant 1 : i32
        %shift_left3A_783 = arith.shli %shift_left3A, %sub3A_782 : i32
        %or3A_784 = vector.broadcast %shift_left3A_783 : i32 to vector<16xi32>
        %or3A_785 = arith.ori %scan3A_780, %or3A_784 : vector<16xi32>
        %broadcast_in_dim3A_786 = arith.constant 0 : i32
        %broadcast_in_dim3A_787 = vector.broadcast %broadcast_in_dim3A_786 : i32 to vector<16xi32>
        %get3A_788 = arith.constant 0 : index
        %get3A_789 = tpu.vector_load %arg7[%get3A_788] {strides = array<i32>} : memref<384xf32, #tpu.memory_space<vmem>>, vector<16xf32>,
        %bitcast3A_790 = vector.bitcast %get3A_789 : vector<16xf32> to vector<16xi32>
        %ge3A_791 = arith.cmpi sge, %bitcast3A_790, %or3A_785 : vector<16xi32>
        %all_reduce_population_count3A_792 = tpu.all_reduce %ge3A_791 {dim = 0 : i64, kind = #tpu.reduction_kind<sum>} : vector<16xi1> -> vector<16xi32>
        %add3A_793 = arith.addi %broadcast_in_dim3A_787, %all_reduce_population_count3A_792 : vector<16xi32>
        %get3A_794 = arith.constant 16 : index
        %get3A_795 = tpu.vector_load %arg7[%get3A_794] {strides = array<i32>} : memref<384xf32, #tpu.memory_space<vmem>>, vector<16xf32>,
        %bitcast3A_796 = vector.bitcast %get3A_795 : vector<16xf32> to vector<16xi32>
        %ge3A_797 = arith.cmpi sge, %bitcast3A_796, %or3A_785 : vector<16xi32>
        %all_reduce_population_count3A_798 = tpu.all_reduce %ge3A_797 {dim = 0 : i64, kind = #tpu.reduction_kind<sum>} : vector<16xi1> -> vector<16xi32>
        %add3A_799 = arith.addi %add3A_793, %all_reduce_population_count3A_798 : vector<16xi32>
        %get3A_800 = arith.constant 32 : index
        %get3A_801 = tpu.vector_load %arg7[%get3A_800] {strides = array<i32>} : memref<384xf32, #tpu.memory_space<vmem>>, vector<16xf32>,
        %bitcast3A_802 = vector.bitcast %get3A_801 : vector<16xf32> to vector<16xi32>
        %ge3A_803 = arith.cmpi sge, %bitcast3A_802, %or3A_785 : vector<16xi32>
        %all_reduce_population_count3A_804 = tpu.all_reduce %ge3A_803 {dim = 0 : i64, kind = #tpu.reduction_kind<sum>} : vector<16xi1> -> vector<16xi32>
        %add3A_805 = arith.addi %add3A_799, %all_reduce_population_count3A_804 : vector<16xi32>
        %get3A_806 = arith.constant 48 : index
        %get3A_807 = tpu.vector_load %arg7[%get3A_806] {strides = array<i32>} : memref<384xf32, #tpu.memory_space<vmem>>, vector<16xf32>,
        %bitcast3A_808 = vector.bitcast %get3A_807 : vector<16xf32> to vector<16xi32>
        %ge3A_809 = arith.cmpi sge, %bitcast3A_808, %or3A_785 : vector<16xi32>
        %all_reduce_population_count3A_810 = tpu.all_reduce %ge3A_809 {dim = 0 : i64, kind = #tpu.reduction_kind<sum>} : vector<16xi1> -> vector<16xi32>
        %add3A_811 = arith.addi %add3A_805, %all_reduce_population_count3A_810 : vector<16xi32>
        %get3A_812 = arith.constant 64 : index
        %get3A_813 = tpu.vector_load %arg7[%get3A_812] {strides = array<i32>} : memref<384xf32, #tpu.memory_space<vmem>>, vector<16xf32>,
        %bitcast3A_814 = vector.bitcast %get3A_813 : vector<16xf32> to vector<16xi32>
        %ge3A_815 = arith.cmpi sge, %bitcast3A_814, %or3A_785 : vector<16xi32>
        %all_reduce_population_count3A_816 = tpu.all_reduce %ge3A_815 {dim = 0 : i64, kind = #tpu.reduction_kind<sum>} : vector<16xi1> -> vector<16xi32>
        %add3A_817 = arith.addi %add3A_811, %all_reduce_population_count3A_816 : vector<16xi32>
        %get3A_818 = arith.constant 80 : index
        %get3A_819 = tpu.vector_load %arg7[%get3A_818] {strides = array<i32>} : memref<384xf32, #tpu.memory_space<vmem>>, vector<16xf32>,
        %bitcast3A_820 = vector.bitcast %get3A_819 : vector<16xf32> to vector<16xi32>
        %ge3A_821 = arith.cmpi sge, %bitcast3A_820, %or3A_785 : vector<16xi32>
        %all_reduce_population_count3A_822 = tpu.all_reduce %ge3A_821 {dim = 0 : i64, kind = #tpu.reduction_kind<sum>} : vector<16xi1> -> vector<16xi32>
        %add3A_823 = arith.addi %add3A_817, %all_reduce_population_count3A_822 : vector<16xi32>
        %get3A_824 = arith.constant 96 : index
        %get3A_825 = tpu.vector_load %arg7[%get3A_824] {strides = array<i32>} : memref<384xf32, #tpu.memory_space<vmem>>, vector<16xf32>,
        %bitcast3A_826 = vector.bitcast %get3A_825 : vector<16xf32> to vector<16xi32>
        %ge3A_827 = arith.cmpi sge, %bitcast3A_826, %or3A_785 : vector<16xi32>
        %all_reduce_population_count3A_828 = tpu.all_reduce %ge3A_827 {dim = 0 : i64, kind = #tpu.reduction_kind<sum>} : vector<16xi1> -> vector<16xi32>
        %add3A_829 = arith.addi %add3A_823, %all_reduce_population_count3A_828 : vector<16xi32>
        %get3A_830 = arith.constant 112 : index
        %get3A_831 = tpu.vector_load %arg7[%get3A_830] {strides = array<i32>} : memref<384xf32, #tpu.memory_space<vmem>>, vector<16xf32>,
        %bitcast3A_832 = vector.bitcast %get3A_831 : vector<16xf32> to vector<16xi32>
        %ge3A_833 = arith.cmpi sge, %bitcast3A_832, %or3A_785 : vector<16xi32>
        %all_reduce_population_count3A_834 = tpu.all_reduce %ge3A_833 {dim = 0 : i64, kind = #tpu.reduction_kind<sum>} : vector<16xi1> -> vector<16xi32>
        %add3A_835 = arith.addi %add3A_829, %all_reduce_population_count3A_834 : vector<16xi32>
        %get3A_836 = arith.constant 128 : index
        %get3A_837 = tpu.vector_load %arg7[%get3A_836] {strides = array<i32>} : memref<384xf32, #tpu.memory_space<vmem>>, vector<16xf32>,
        %bitcast3A_838 = vector.bitcast %get3A_837 : vector<16xf32> to vector<16xi32>
        %ge3A_839 = arith.cmpi sge, %bitcast3A_838, %or3A_785 : vector<16xi32>
        %all_reduce_population_count3A_840 = tpu.all_reduce %ge3A_839 {dim = 0 : i64, kind = #tpu.reduction_kind<sum>} : vector<16xi1> -> vector<16xi32>
        %add3A_841 = arith.addi %add3A_835, %all_reduce_population_count3A_840 : vector<16xi32>
        %get3A_842 = arith.constant 144 : index
        %get3A_843 = tpu.vector_load %arg7[%get3A_842] {strides = array<i32>} : memref<384xf32, #tpu.memory_space<vmem>>, vector<16xf32>,
        %bitcast3A_844 = vector.bitcast %get3A_843 : vector<16xf32> to vector<16xi32>
        %ge3A_845 = arith.cmpi sge, %bitcast3A_844, %or3A_785 : vector<16xi32>
        %all_reduce_population_count3A_846 = tpu.all_reduce %ge3A_845 {dim = 0 : i64, kind = #tpu.reduction_kind<sum>} : vector<16xi1> -> vector<16xi32>
        %add3A_847 = arith.addi %add3A_841, %all_reduce_population_count3A_846 : vector<16xi32>
        %get3A_848 = arith.constant 160 : index
        %get3A_849 = tpu.vector_load %arg7[%get3A_848] {strides = array<i32>} : memref<384xf32, #tpu.memory_space<vmem>>, vector<16xf32>,
        %bitcast3A_850 = vector.bitcast %get3A_849 : vector<16xf32> to vector<16xi32>
        %ge3A_851 = arith.cmpi sge, %bitcast3A_850, %or3A_785 : vector<16xi32>
        %all_reduce_population_count3A_852 = tpu.all_reduce %ge3A_851 {dim = 0 : i64, kind = #tpu.reduction_kind<sum>} : vector<16xi1> -> vector<16xi32>
        %add3A_853 = arith.addi %add3A_847, %all_reduce_population_count3A_852 : vector<16xi32>
        %get3A_854 = arith.constant 176 : index
        %get3A_855 = tpu.vector_load %arg7[%get3A_854] {strides = array<i32>} : memref<384xf32, #tpu.memory_space<vmem>>, vector<16xf32>,
        %bitcast3A_856 = vector.bitcast %get3A_855 : vector<16xf32> to vector<16xi32>
        %ge3A_857 = arith.cmpi sge, %bitcast3A_856, %or3A_785 : vector<16xi32>
        %all_reduce_population_count3A_858 = tpu.all_reduce %ge3A_857 {dim = 0 : i64, kind = #tpu.reduction_kind<sum>} : vector<16xi1> -> vector<16xi32>
        %add3A_859 = arith.addi %add3A_853, %all_reduce_population_count3A_858 : vector<16xi32>
        %get3A_860 = arith.constant 192 : index
        %get3A_861 = tpu.vector_load %arg7[%get3A_860] {strides = array<i32>} : memref<384xf32, #tpu.memory_space<vmem>>, vector<16xf32>,
        %bitcast3A_862 = vector.bitcast %get3A_861 : vector<16xf32> to vector<16xi32>
        %ge3A_863 = arith.cmpi sge, %bitcast3A_862, %or3A_785 : vector<16xi32>
        %all_reduce_population_count3A_864 = tpu.all_reduce %ge3A_863 {dim = 0 : i64, kind = #tpu.reduction_kind<sum>} : vector<16xi1> -> vector<16xi32>
        %add3A_865 = arith.addi %add3A_859, %all_reduce_population_count3A_864 : vector<16xi32>
        %get3A_866 = arith.constant 208 : index
        %get3A_867 = tpu.vector_load %arg7[%get3A_866] {strides = array<i32>} : memref<384xf32, #tpu.memory_space<vmem>>, vector<16xf32>,
        %bitcast3A_868 = vector.bitcast %get3A_867 : vector<16xf32> to vector<16xi32>
        %ge3A_869 = arith.cmpi sge, %bitcast3A_868, %or3A_785 : vector<16xi32>
        %all_reduce_population_count3A_870 = tpu.all_reduce %ge3A_869 {dim = 0 : i64, kind = #tpu.reduction_kind<sum>} : vector<16xi1> -> vector<16xi32>
        %add3A_871 = arith.addi %add3A_865, %all_reduce_population_count3A_870 : vector<16xi32>
        %get3A_872 = arith.constant 224 : index
        %get3A_873 = tpu.vector_load %arg7[%get3A_872] {strides = array<i32>} : memref<384xf32, #tpu.memory_space<vmem>>, vector<16xf32>,
        %bitcast3A_874 = vector.bitcast %get3A_873 : vector<16xf32> to vector<16xi32>
        %ge3A_875 = arith.cmpi sge, %bitcast3A_874, %or3A_785 : vector<16xi32>
        %all_reduce_population_count3A_876 = tpu.all_reduce %ge3A_875 {dim = 0 : i64, kind = #tpu.reduction_kind<sum>} : vector<16xi1> -> vector<16xi32>
        %add3A_877 = arith.addi %add3A_871, %all_reduce_population_count3A_876 : vector<16xi32>
        %get3A_878 = arith.constant 240 : index
        %get3A_879 = tpu.vector_load %arg7[%get3A_878] {strides = array<i32>} : memref<384xf32, #tpu.memory_space<vmem>>, vector<16xf32>,
        %bitcast3A_880 = vector.bitcast %get3A_879 : vector<16xf32> to vector<16xi32>
        %ge3A_881 = arith.cmpi sge, %bitcast3A_880, %or3A_785 : vector<16xi32>
        %all_reduce_population_count3A_882 = tpu.all_reduce %ge3A_881 {dim = 0 : i64, kind = #tpu.reduction_kind<sum>} : vector<16xi1> -> vector<16xi32>
        %add3A_883 = arith.addi %add3A_877, %all_reduce_population_count3A_882 : vector<16xi32>
        %get3A_884 = arith.constant 256 : index
        %get3A_885 = tpu.vector_load %arg7[%get3A_884] {strides = array<i32>} : memref<384xf32, #tpu.memory_space<vmem>>, vector<16xf32>,
        %bitcast3A_886 = vector.bitcast %get3A_885 : vector<16xf32> to vector<16xi32>
        %ge3A_887 = arith.cmpi sge, %bitcast3A_886, %or3A_785 : vector<16xi32>
        %all_reduce_population_count3A_888 = tpu.all_reduce %ge3A_887 {dim = 0 : i64, kind = #tpu.reduction_kind<sum>} : vector<16xi1> -> vector<16xi32>
        %add3A_889 = arith.addi %add3A_883, %all_reduce_population_count3A_888 : vector<16xi32>
        %get3A_890 = arith.constant 272 : index
        %get3A_891 = tpu.vector_load %arg7[%get3A_890] {strides = array<i32>} : memref<384xf32, #tpu.memory_space<vmem>>, vector<16xf32>,
        %bitcast3A_892 = vector.bitcast %get3A_891 : vector<16xf32> to vector<16xi32>
        %ge3A_893 = arith.cmpi sge, %bitcast3A_892, %or3A_785 : vector<16xi32>
        %all_reduce_population_count3A_894 = tpu.all_reduce %ge3A_893 {dim = 0 : i64, kind = #tpu.reduction_kind<sum>} : vector<16xi1> -> vector<16xi32>
        %add3A_895 = arith.addi %add3A_889, %all_reduce_population_count3A_894 : vector<16xi32>
        %get3A_896 = arith.constant 288 : index
        %get3A_897 = tpu.vector_load %arg7[%get3A_896] {strides = array<i32>} : memref<384xf32, #tpu.memory_space<vmem>>, vector<16xf32>,
        %bitcast3A_898 = vector.bitcast %get3A_897 : vector<16xf32> to vector<16xi32>
        %ge3A_899 = arith.cmpi sge, %bitcast3A_898, %or3A_785 : vector<16xi32>
        %all_reduce_population_count3A_900 = tpu.all_reduce %ge3A_899 {dim = 0 : i64, kind = #tpu.reduction_kind<sum>} : vector<16xi1> -> vector<16xi32>
        %add3A_901 = arith.addi %add3A_895, %all_reduce_population_count3A_900 : vector<16xi32>
        %get3A_902 = arith.constant 304 : index
        %get3A_903 = tpu.vector_load %arg7[%get3A_902] {strides = array<i32>} : memref<384xf32, #tpu.memory_space<vmem>>, vector<16xf32>,
        %bitcast3A_904 = vector.bitcast %get3A_903 : vector<16xf32> to vector<16xi32>
        %ge3A_905 = arith.cmpi sge, %bitcast3A_904, %or3A_785 : vector<16xi32>
        %all_reduce_population_count3A_906 = tpu.all_reduce %ge3A_905 {dim = 0 : i64, kind = #tpu.reduction_kind<sum>} : vector<16xi1> -> vector<16xi32>
        %add3A_907 = arith.addi %add3A_901, %all_reduce_population_count3A_906 : vector<16xi32>
        %get3A_908 = arith.constant 320 : index
        %get3A_909 = tpu.vector_load %arg7[%get3A_908] {strides = array<i32>} : memref<384xf32, #tpu.memory_space<vmem>>, vector<16xf32>,
        %bitcast3A_910 = vector.bitcast %get3A_909 : vector<16xf32> to vector<16xi32>
        %ge3A_911 = arith.cmpi sge, %bitcast3A_910, %or3A_785 : vector<16xi32>
        %all_reduce_population_count3A_912 = tpu.all_reduce %ge3A_911 {dim = 0 : i64, kind = #tpu.reduction_kind<sum>} : vector<16xi1> -> vector<16xi32>
        %add3A_913 = arith.addi %add3A_907, %all_reduce_population_count3A_912 : vector<16xi32>
        %get3A_914 = arith.constant 336 : index
        %get3A_915 = tpu.vector_load %arg7[%get3A_914] {strides = array<i32>} : memref<384xf32, #tpu.memory_space<vmem>>, vector<16xf32>,
        %bitcast3A_916 = vector.bitcast %get3A_915 : vector<16xf32> to vector<16xi32>
        %ge3A_917 = arith.cmpi sge, %bitcast3A_916, %or3A_785 : vector<16xi32>
        %all_reduce_population_count3A_918 = tpu.all_reduce %ge3A_917 {dim = 0 : i64, kind = #tpu.reduction_kind<sum>} : vector<16xi1> -> vector<16xi32>
        %add3A_919 = arith.addi %add3A_913, %all_reduce_population_count3A_918 : vector<16xi32>
        %get3A_920 = arith.constant 352 : index
        %get3A_921 = tpu.vector_load %arg7[%get3A_920] {strides = array<i32>} : memref<384xf32, #tpu.memory_space<vmem>>, vector<16xf32>,
        %bitcast3A_922 = vector.bitcast %get3A_921 : vector<16xf32> to vector<16xi32>
        %ge3A_923 = arith.cmpi sge, %bitcast3A_922, %or3A_785 : vector<16xi32>
        %all_reduce_population_count3A_924 = tpu.all_reduce %ge3A_923 {dim = 0 : i64, kind = #tpu.reduction_kind<sum>} : vector<16xi1> -> vector<16xi32>
        %add3A_925 = arith.addi %add3A_919, %all_reduce_population_count3A_924 : vector<16xi32>
        %get3A_926 = arith.constant 368 : index
        %get3A_927 = tpu.vector_load %arg7[%get3A_926] {strides = array<i32>} : memref<384xf32, #tpu.memory_space<vmem>>, vector<16xf32>,
        %bitcast3A_928 = vector.bitcast %get3A_927 : vector<16xf32> to vector<16xi32>
        %ge3A_929 = arith.cmpi sge, %bitcast3A_928, %or3A_785 : vector<16xi32>
        %all_reduce_population_count3A_930 = tpu.all_reduce %ge3A_929 {dim = 0 : i64, kind = #tpu.reduction_kind<sum>} : vector<16xi1> -> vector<16xi32>
        %add3A_931 = arith.addi %add3A_925, %all_reduce_population_count3A_930 : vector<16xi32>
        %ge3A_932 = arith.constant 57 : i32
        %ge3A_933 = vector.broadcast %ge3A_932 : i32 to vector<16xi32>
        %ge3A_934 = arith.cmpi sge, %add3A_931, %ge3A_933 : vector<16xi32>
        %select_n3A_935 = arith.select %ge3A_934, %or3A_785, %scan3A_780 : vector<16xi1>, vector<16xi32>
        scf.yield %select_n3A_935 : vector<16xi32>
      }
      %scan3A_7 = arith.constant 30 : i32
      %add3A = arith.constant 1 : i32
      %add3A_8 = vector.broadcast %add3A : i32 to vector<16xi32>
      %add3A_9 = arith.addi %scan3A_6, %add3A_8 : vector<16xi32>
      %broadcast_in_dim3A_10 = arith.constant 0 : i32
      %broadcast_in_dim3A_11 = vector.broadcast %broadcast_in_dim3A_10 : i32 to vector<16xi32>
      %get3A = arith.constant 0 : index
      %get3A_12 = tpu.vector_load %arg7[%get3A] {strides = array<i32>} : memref<384xf32, #tpu.memory_space<vmem>>, vector<16xf32>,
      %bitcast3A = vector.bitcast %get3A_12 : vector<16xf32> to vector<16xi32>
      %ge3A = arith.cmpi sge, %bitcast3A, %add3A_9 : vector<16xi32>
      %all_reduce_population_count3A = tpu.all_reduce %ge3A {dim = 0 : i64, kind = #tpu.reduction_kind<sum>} : vector<16xi1> -> vector<16xi32>
      %add3A_13 = arith.addi %broadcast_in_dim3A_11, %all_reduce_population_count3A : vector<16xi32>
      %get3A_14 = arith.constant 16 : index
      %get3A_15 = tpu.vector_load %arg7[%get3A_14] {strides = array<i32>} : memref<384xf32, #tpu.memory_space<vmem>>, vector<16xf32>,
      %bitcast3A_16 = vector.bitcast %get3A_15 : vector<16xf32> to vector<16xi32>
      %ge3A_17 = arith.cmpi sge, %bitcast3A_16, %add3A_9 : vector<16xi32>
      %all_reduce_population_count3A_18 = tpu.all_reduce %ge3A_17 {dim = 0 : i64, kind = #tpu.reduction_kind<sum>} : vector<16xi1> -> vector<16xi32>
      %add3A_19 = arith.addi %add3A_13, %all_reduce_population_count3A_18 : vector<16xi32>
      %get3A_20 = arith.constant 32 : index
      %get3A_21 = tpu.vector_load %arg7[%get3A_20] {strides = array<i32>} : memref<384xf32, #tpu.memory_space<vmem>>, vector<16xf32>,
      %bitcast3A_22 = vector.bitcast %get3A_21 : vector<16xf32> to vector<16xi32>
      %ge3A_23 = arith.cmpi sge, %bitcast3A_22, %add3A_9 : vector<16xi32>
      %all_reduce_population_count3A_24 = tpu.all_reduce %ge3A_23 {dim = 0 : i64, kind = #tpu.reduction_kind<sum>} : vector<16xi1> -> vector<16xi32>
      %add3A_25 = arith.addi %add3A_19, %all_reduce_population_count3A_24 : vector<16xi32>
      %get3A_26 = arith.constant 48 : index
      %get3A_27 = tpu.vector_load %arg7[%get3A_26] {strides = array<i32>} : memref<384xf32, #tpu.memory_space<vmem>>, vector<16xf32>,
      %bitcast3A_28 = vector.bitcast %get3A_27 : vector<16xf32> to vector<16xi32>
      %ge3A_29 = arith.cmpi sge, %bitcast3A_28, %add3A_9 : vector<16xi32>
      %all_reduce_population_count3A_30 = tpu.all_reduce %ge3A_29 {dim = 0 : i64, kind = #tpu.reduction_kind<sum>} : vector<16xi1> -> vector<16xi32>
      %add3A_31 = arith.addi %add3A_25, %all_reduce_population_count3A_30 : vector<16xi32>
      %get3A_32 = arith.constant 64 : index
      %get3A_33 = tpu.vector_load %arg7[%get3A_32] {strides = array<i32>} : memref<384xf32, #tpu.memory_space<vmem>>, vector<16xf32>,
      %bitcast3A_34 = vector.bitcast %get3A_33 : vector<16xf32> to vector<16xi32>
      %ge3A_35 = arith.cmpi sge, %bitcast3A_34, %add3A_9 : vector<16xi32>
      %all_reduce_population_count3A_36 = tpu.all_reduce %ge3A_35 {dim = 0 : i64, kind = #tpu.reduction_kind<sum>} : vector<16xi1> -> vector<16xi32>
      %add3A_37 = arith.addi %add3A_31, %all_reduce_population_count3A_36 : vector<16xi32>
      %get3A_38 = arith.constant 80 : index
      %get3A_39 = tpu.vector_load %arg7[%get3A_38] {strides = array<i32>} : memref<384xf32, #tpu.memory_space<vmem>>, vector<16xf32>,
      %bitcast3A_40 = vector.bitcast %get3A_39 : vector<16xf32> to vector<16xi32>
      %ge3A_41 = arith.cmpi sge, %bitcast3A_40, %add3A_9 : vector<16xi32>
      %all_reduce_population_count3A_42 = tpu.all_reduce %ge3A_41 {dim = 0 : i64, kind = #tpu.reduction_kind<sum>} : vector<16xi1> -> vector<16xi32>
      %add3A_43 = arith.addi %add3A_37, %all_reduce_population_count3A_42 : vector<16xi32>
      %get3A_44 = arith.constant 96 : index
      %get3A_45 = tpu.vector_load %arg7[%get3A_44] {strides = array<i32>} : memref<384xf32, #tpu.memory_space<vmem>>, vector<16xf32>,
      %bitcast3A_46 = vector.bitcast %get3A_45 : vector<16xf32> to vector<16xi32>
      %ge3A_47 = arith.cmpi sge, %bitcast3A_46, %add3A_9 : vector<16xi32>
      %all_reduce_population_count3A_48 = tpu.all_reduce %ge3A_47 {dim = 0 : i64, kind = #tpu.reduction_kind<sum>} : vector<16xi1> -> vector<16xi32>
      %add3A_49 = arith.addi %add3A_43, %all_reduce_population_count3A_48 : vector<16xi32>
      %get3A_50 = arith.constant 112 : index
      %get3A_51 = tpu.vector_load %arg7[%get3A_50] {strides = array<i32>} : memref<384xf32, #tpu.memory_space<vmem>>, vector<16xf32>,
      %bitcast3A_52 = vector.bitcast %get3A_51 : vector<16xf32> to vector<16xi32>
      %ge3A_53 = arith.cmpi sge, %bitcast3A_52, %add3A_9 : vector<16xi32>
      %all_reduce_population_count3A_54 = tpu.all_reduce %ge3A_53 {dim = 0 : i64, kind = #tpu.reduction_kind<sum>} : vector<16xi1> -> vector<16xi32>
      %add3A_55 = arith.addi %add3A_49, %all_reduce_population_count3A_54 : vector<16xi32>
      %get3A_56 = arith.constant 128 : index
      %get3A_57 = tpu.vector_load %arg7[%get3A_56] {strides = array<i32>} : memref<384xf32, #tpu.memory_space<vmem>>, vector<16xf32>,
      %bitcast3A_58 = vector.bitcast %get3A_57 : vector<16xf32> to vector<16xi32>
      %ge3A_59 = arith.cmpi sge, %bitcast3A_58, %add3A_9 : vector<16xi32>
      %all_reduce_population_count3A_60 = tpu.all_reduce %ge3A_59 {dim = 0 : i64, kind = #tpu.reduction_kind<sum>} : vector<16xi1> -> vector<16xi32>
      %add3A_61 = arith.addi %add3A_55, %all_reduce_population_count3A_60 : vector<16xi32>
      %get3A_62 = arith.constant 144 : index
      %get3A_63 = tpu.vector_load %arg7[%get3A_62] {strides = array<i32>} : memref<384xf32, #tpu.memory_space<vmem>>, vector<16xf32>,
      %bitcast3A_64 = vector.bitcast %get3A_63 : vector<16xf32> to vector<16xi32>
      %ge3A_65 = arith.cmpi sge, %bitcast3A_64, %add3A_9 : vector<16xi32>
      %all_reduce_population_count3A_66 = tpu.all_reduce %ge3A_65 {dim = 0 : i64, kind = #tpu.reduction_kind<sum>} : vector<16xi1> -> vector<16xi32>
      %add3A_67 = arith.addi %add3A_61, %all_reduce_population_count3A_66 : vector<16xi32>
      %get3A_68 = arith.constant 160 : index
      %get3A_69 = tpu.vector_load %arg7[%get3A_68] {strides = array<i32>} : memref<384xf32, #tpu.memory_space<vmem>>, vector<16xf32>,
      %bitcast3A_70 = vector.bitcast %get3A_69 : vector<16xf32> to vector<16xi32>
      %ge3A_71 = arith.cmpi sge, %bitcast3A_70, %add3A_9 : vector<16xi32>
      %all_reduce_population_count3A_72 = tpu.all_reduce %ge3A_71 {dim = 0 : i64, kind = #tpu.reduction_kind<sum>} : vector<16xi1> -> vector<16xi32>
      %add3A_73 = arith.addi %add3A_67, %all_reduce_population_count3A_72 : vector<16xi32>
      %get3A_74 = arith.constant 176 : index
      %get3A_75 = tpu.vector_load %arg7[%get3A_74] {strides = array<i32>} : memref<384xf32, #tpu.memory_space<vmem>>, vector<16xf32>,
      %bitcast3A_76 = vector.bitcast %get3A_75 : vector<16xf32> to vector<16xi32>
      %ge3A_77 = arith.cmpi sge, %bitcast3A_76, %add3A_9 : vector<16xi32>
      %all_reduce_population_count3A_78 = tpu.all_reduce %ge3A_77 {dim = 0 : i64, kind = #tpu.reduction_kind<sum>} : vector<16xi1> -> vector<16xi32>
      %add3A_79 = arith.addi %add3A_73, %all_reduce_population_count3A_78 : vector<16xi32>
      %get3A_80 = arith.constant 192 : index
      %get3A_81 = tpu.vector_load %arg7[%get3A_80] {strides = array<i32>} : memref<384xf32, #tpu.memory_space<vmem>>, vector<16xf32>,
      %bitcast3A_82 = vector.bitcast %get3A_81 : vector<16xf32> to vector<16xi32>
      %ge3A_83 = arith.cmpi sge, %bitcast3A_82, %add3A_9 : vector<16xi32>
      %all_reduce_population_count3A_84 = tpu.all_reduce %ge3A_83 {dim = 0 : i64, kind = #tpu.reduction_kind<sum>} : vector<16xi1> -> vector<16xi32>
      %add3A_85 = arith.addi %add3A_79, %all_reduce_population_count3A_84 : vector<16xi32>
      %get3A_86 = arith.constant 208 : index
      %get3A_87 = tpu.vector_load %arg7[%get3A_86] {strides = array<i32>} : memref<384xf32, #tpu.memory_space<vmem>>, vector<16xf32>,
      %bitcast3A_88 = vector.bitcast %get3A_87 : vector<16xf32> to vector<16xi32>
      %ge3A_89 = arith.cmpi sge, %bitcast3A_88, %add3A_9 : vector<16xi32>
      %all_reduce_population_count3A_90 = tpu.all_reduce %ge3A_89 {dim = 0 : i64, kind = #tpu.reduction_kind<sum>} : vector<16xi1> -> vector<16xi32>
      %add3A_91 = arith.addi %add3A_85, %all_reduce_population_count3A_90 : vector<16xi32>
      %get3A_92 = arith.constant 224 : index
      %get3A_93 = tpu.vector_load %arg7[%get3A_92] {strides = array<i32>} : memref<384xf32, #tpu.memory_space<vmem>>, vector<16xf32>,
      %bitcast3A_94 = vector.bitcast %get3A_93 : vector<16xf32> to vector<16xi32>
      %ge3A_95 = arith.cmpi sge, %bitcast3A_94, %add3A_9 : vector<16xi32>
      %all_reduce_population_count3A_96 = tpu.all_reduce %ge3A_95 {dim = 0 : i64, kind = #tpu.reduction_kind<sum>} : vector<16xi1> -> vector<16xi32>
      %add3A_97 = arith.addi %add3A_91, %all_reduce_population_count3A_96 : vector<16xi32>
      %get3A_98 = arith.constant 240 : index
      %get3A_99 = tpu.vector_load %arg7[%get3A_98] {strides = array<i32>} : memref<384xf32, #tpu.memory_space<vmem>>, vector<16xf32>,
      %bitcast3A_100 = vector.bitcast %get3A_99 : vector<16xf32> to vector<16xi32>
      %ge3A_101 = arith.cmpi sge, %bitcast3A_100, %add3A_9 : vector<16xi32>
      %all_reduce_population_count3A_102 = tpu.all_reduce %ge3A_101 {dim = 0 : i64, kind = #tpu.reduction_kind<sum>} : vector<16xi1> -> vector<16xi32>
      %add3A_103 = arith.addi %add3A_97, %all_reduce_population_count3A_102 : vector<16xi32>
      %get3A_104 = arith.constant 256 : index
      %get3A_105 = tpu.vector_load %arg7[%get3A_104] {strides = array<i32>} : memref<384xf32, #tpu.memory_space<vmem>>, vector<16xf32>,
      %bitcast3A_106 = vector.bitcast %get3A_105 : vector<16xf32> to vector<16xi32>
      %ge3A_107 = arith.cmpi sge, %bitcast3A_106, %add3A_9 : vector<16xi32>
      %all_reduce_population_count3A_108 = tpu.all_reduce %ge3A_107 {dim = 0 : i64, kind = #tpu.reduction_kind<sum>} : vector<16xi1> -> vector<16xi32>
      %add3A_109 = arith.addi %add3A_103, %all_reduce_population_count3A_108 : vector<16xi32>
      %get3A_110 = arith.constant 272 : index
      %get3A_111 = tpu.vector_load %arg7[%get3A_110] {strides = array<i32>} : memref<384xf32, #tpu.memory_space<vmem>>, vector<16xf32>,
      %bitcast3A_112 = vector.bitcast %get3A_111 : vector<16xf32> to vector<16xi32>
      %ge3A_113 = arith.cmpi sge, %bitcast3A_112, %add3A_9 : vector<16xi32>
      %all_reduce_population_count3A_114 = tpu.all_reduce %ge3A_113 {dim = 0 : i64, kind = #tpu.reduction_kind<sum>} : vector<16xi1> -> vector<16xi32>
      %add3A_115 = arith.addi %add3A_109, %all_reduce_population_count3A_114 : vector<16xi32>
      %get3A_116 = arith.constant 288 : index
      %get3A_117 = tpu.vector_load %arg7[%get3A_116] {strides = array<i32>} : memref<384xf32, #tpu.memory_space<vmem>>, vector<16xf32>,
      %bitcast3A_118 = vector.bitcast %get3A_117 : vector<16xf32> to vector<16xi32>
      %ge3A_119 = arith.cmpi sge, %bitcast3A_118, %add3A_9 : vector<16xi32>
      %all_reduce_population_count3A_120 = tpu.all_reduce %ge3A_119 {dim = 0 : i64, kind = #tpu.reduction_kind<sum>} : vector<16xi1> -> vector<16xi32>
      %add3A_121 = arith.addi %add3A_115, %all_reduce_population_count3A_120 : vector<16xi32>
      %get3A_122 = arith.constant 304 : index
      %get3A_123 = tpu.vector_load %arg7[%get3A_122] {strides = array<i32>} : memref<384xf32, #tpu.memory_space<vmem>>, vector<16xf32>,
      %bitcast3A_124 = vector.bitcast %get3A_123 : vector<16xf32> to vector<16xi32>
      %ge3A_125 = arith.cmpi sge, %bitcast3A_124, %add3A_9 : vector<16xi32>
      %all_reduce_population_count3A_126 = tpu.all_reduce %ge3A_125 {dim = 0 : i64, kind = #tpu.reduction_kind<sum>} : vector<16xi1> -> vector<16xi32>
      %add3A_127 = arith.addi %add3A_121, %all_reduce_population_count3A_126 : vector<16xi32>
      %get3A_128 = arith.constant 320 : index
      %get3A_129 = tpu.vector_load %arg7[%get3A_128] {strides = array<i32>} : memref<384xf32, #tpu.memory_space<vmem>>, vector<16xf32>,
      %bitcast3A_130 = vector.bitcast %get3A_129 : vector<16xf32> to vector<16xi32>
      %ge3A_131 = arith.cmpi sge, %bitcast3A_130, %add3A_9 : vector<16xi32>
      %all_reduce_population_count3A_132 = tpu.all_reduce %ge3A_131 {dim = 0 : i64, kind = #tpu.reduction_kind<sum>} : vector<16xi1> -> vector<16xi32>
      %add3A_133 = arith.addi %add3A_127, %all_reduce_population_count3A_132 : vector<16xi32>
      %get3A_134 = arith.constant 336 : index
      %get3A_135 = tpu.vector_load %arg7[%get3A_134] {strides = array<i32>} : memref<384xf32, #tpu.memory_space<vmem>>, vector<16xf32>,
      %bitcast3A_136 = vector.bitcast %get3A_135 : vector<16xf32> to vector<16xi32>
      %ge3A_137 = arith.cmpi sge, %bitcast3A_136, %add3A_9 : vector<16xi32>
      %all_reduce_population_count3A_138 = tpu.all_reduce %ge3A_137 {dim = 0 : i64, kind = #tpu.reduction_kind<sum>} : vector<16xi1> -> vector<16xi32>
      %add3A_139 = arith.addi %add3A_133, %all_reduce_population_count3A_138 : vector<16xi32>
      %get3A_140 = arith.constant 352 : index
      %get3A_141 = tpu.vector_load %arg7[%get3A_140] {strides = array<i32>} : memref<384xf32, #tpu.memory_space<vmem>>, vector<16xf32>,
      %bitcast3A_142 = vector.bitcast %get3A_141 : vector<16xf32> to vector<16xi32>
      %ge3A_143 = arith.cmpi sge, %bitcast3A_142, %add3A_9 : vector<16xi32>
      %all_reduce_population_count3A_144 = tpu.all_reduce %ge3A_143 {dim = 0 : i64, kind = #tpu.reduction_kind<sum>} : vector<16xi1> -> vector<16xi32>
      %add3A_145 = arith.addi %add3A_139, %all_reduce_population_count3A_144 : vector<16xi32>
      %get3A_146 = arith.constant 368 : index
      %get3A_147 = tpu.vector_load %arg7[%get3A_146] {strides = array<i32>} : memref<384xf32, #tpu.memory_space<vmem>>, vector<16xf32>,
      %bitcast3A_148 = vector.bitcast %get3A_147 : vector<16xf32> to vector<16xi32>
      %ge3A_149 = arith.cmpi sge, %bitcast3A_148, %add3A_9 : vector<16xi32>
      %all_reduce_population_count3A_150 = tpu.all_reduce %ge3A_149 {dim = 0 : i64, kind = #tpu.reduction_kind<sum>} : vector<16xi1> -> vector<16xi32>
      %add3A_151 = arith.addi %add3A_145, %all_reduce_population_count3A_150 : vector<16xi32>
      %sub3A = arith.constant 57 : i32
      %sub3A_152 = vector.broadcast %sub3A : i32 to vector<16xi32>
      %sub3A_153 = arith.subi %sub3A_152, %add3A_151 : vector<16xi32>
      %broadcast_in_dim3A_154 = arith.constant 0 : i32
      %broadcast_in_dim3A_155 = vector.broadcast %broadcast_in_dim3A_154 : i32 to vector<16xi32>
      %scan3A_156 = arith.constant 0 : i32
      %scan3A_157 = arith.constant 9 : i32
      %scan3A_158 = arith.addi %scan3A_156, %scan3A_157 : i32
      %scan3A_159 = arith.constant 1 : i32
      %scan3A_160 = scf.for %scan3A_779 = %scan3A_156 to %scan3A_158 step %scan3A_159 iter_args(%scan3A_780 = %broadcast_in_dim3A_155) -> (vector<16xi32>)  : i32 {
        %sub3A_781 = arith.constant 8 : i32
        %sub3A_782 = arith.subi %sub3A_781, %scan3A_779 : i32
        %shift_left3A = arith.constant 1 : i32
        %shift_left3A_783 = arith.shli %shift_left3A, %sub3A_782 : i32
        %or3A_784 = vector.broadcast %shift_left3A_783 : i32 to vector<16xi32>
        %or3A_785 = arith.ori %scan3A_780, %or3A_784 : vector<16xi32>
        %broadcast_in_dim3A_786 = arith.constant 0 : i32
        %broadcast_in_dim3A_787 = vector.broadcast %broadcast_in_dim3A_786 : i32 to vector<16xi32>
        %get3A_788 = arith.constant 0 : index
        %get3A_789 = tpu.vector_load %arg7[%get3A_788] {strides = array<i32>} : memref<384xf32, #tpu.memory_space<vmem>>, vector<16xf32>,
        %bitcast3A_790 = vector.bitcast %get3A_789 : vector<16xf32> to vector<16xi32>
        %iota3A_791 = tpu.iota {dimensions = array<i32: 0>} : vector<16xi32>
        %add3A_792 = arith.constant 0 : i32
        %add3A_793 = vector.broadcast %add3A_792 : i32 to vector<16xi32>
        %add3A_794 = arith.addi %iota3A_791, %add3A_793 : vector<16xi32>
        %eq3A_795 = arith.cmpi eq, %bitcast3A_790, %scan3A_6 : vector<16xi32>
        %ge3A_796 = arith.cmpi sge, %add3A_794, %or3A_785 : vector<16xi32>
        %and3A_797 = arith.andi %eq3A_795, %ge3A_796 : vector<16xi1>
        %all_reduce_population_count3A_798 = tpu.all_reduce %and3A_797 {dim = 0 : i64, kind = #tpu.reduction_kind<sum>} : vector<16xi1> -> vector<16xi32>
        %add3A_799 = arith.addi %broadcast_in_dim3A_787, %all_reduce_population_count3A_798 : vector<16xi32>
        %get3A_800 = arith.constant 16 : index
        %get3A_801 = tpu.vector_load %arg7[%get3A_800] {strides = array<i32>} : memref<384xf32, #tpu.memory_space<vmem>>, vector<16xf32>,
        %bitcast3A_802 = vector.bitcast %get3A_801 : vector<16xf32> to vector<16xi32>
        %iota3A_803 = tpu.iota {dimensions = array<i32: 0>} : vector<16xi32>
        %add3A_804 = arith.constant 16 : i32
        %add3A_805 = vector.broadcast %add3A_804 : i32 to vector<16xi32>
        %add3A_806 = arith.addi %iota3A_803, %add3A_805 : vector<16xi32>
        %eq3A_807 = arith.cmpi eq, %bitcast3A_802, %scan3A_6 : vector<16xi32>
        %ge3A_808 = arith.cmpi sge, %add3A_806, %or3A_785 : vector<16xi32>
        %and3A_809 = arith.andi %eq3A_807, %ge3A_808 : vector<16xi1>
        %all_reduce_population_count3A_810 = tpu.all_reduce %and3A_809 {dim = 0 : i64, kind = #tpu.reduction_kind<sum>} : vector<16xi1> -> vector<16xi32>
        %add3A_811 = arith.addi %add3A_799, %all_reduce_population_count3A_810 : vector<16xi32>
        %get3A_812 = arith.constant 32 : index
        %get3A_813 = tpu.vector_load %arg7[%get3A_812] {strides = array<i32>} : memref<384xf32, #tpu.memory_space<vmem>>, vector<16xf32>,
        %bitcast3A_814 = vector.bitcast %get3A_813 : vector<16xf32> to vector<16xi32>
        %iota3A_815 = tpu.iota {dimensions = array<i32: 0>} : vector<16xi32>
        %add3A_816 = arith.constant 32 : i32
        %add3A_817 = vector.broadcast %add3A_816 : i32 to vector<16xi32>
        %add3A_818 = arith.addi %iota3A_815, %add3A_817 : vector<16xi32>
        %eq3A_819 = arith.cmpi eq, %bitcast3A_814, %scan3A_6 : vector<16xi32>
        %ge3A_820 = arith.cmpi sge, %add3A_818, %or3A_785 : vector<16xi32>
        %and3A_821 = arith.andi %eq3A_819, %ge3A_820 : vector<16xi1>
        %all_reduce_population_count3A_822 = tpu.all_reduce %and3A_821 {dim = 0 : i64, kind = #tpu.reduction_kind<sum>} : vector<16xi1> -> vector<16xi32>
        %add3A_823 = arith.addi %add3A_811, %all_reduce_population_count3A_822 : vector<16xi32>
        %get3A_824 = arith.constant 48 : index
        %get3A_825 = tpu.vector_load %arg7[%get3A_824] {strides = array<i32>} : memref<384xf32, #tpu.memory_space<vmem>>, vector<16xf32>,
        %bitcast3A_826 = vector.bitcast %get3A_825 : vector<16xf32> to vector<16xi32>
        %iota3A_827 = tpu.iota {dimensions = array<i32: 0>} : vector<16xi32>
        %add3A_828 = arith.constant 48 : i32
        %add3A_829 = vector.broadcast %add3A_828 : i32 to vector<16xi32>
        %add3A_830 = arith.addi %iota3A_827, %add3A_829 : vector<16xi32>
        %eq3A_831 = arith.cmpi eq, %bitcast3A_826, %scan3A_6 : vector<16xi32>
        %ge3A_832 = arith.cmpi sge, %add3A_830, %or3A_785 : vector<16xi32>
        %and3A_833 = arith.andi %eq3A_831, %ge3A_832 : vector<16xi1>
        %all_reduce_population_count3A_834 = tpu.all_reduce %and3A_833 {dim = 0 : i64, kind = #tpu.reduction_kind<sum>} : vector<16xi1> -> vector<16xi32>
        %add3A_835 = arith.addi %add3A_823, %all_reduce_population_count3A_834 : vector<16xi32>
        %get3A_836 = arith.constant 64 : index
        %get3A_837 = tpu.vector_load %arg7[%get3A_836] {strides = array<i32>} : memref<384xf32, #tpu.memory_space<vmem>>, vector<16xf32>,
        %bitcast3A_838 = vector.bitcast %get3A_837 : vector<16xf32> to vector<16xi32>
        %iota3A_839 = tpu.iota {dimensions = array<i32: 0>} : vector<16xi32>
        %add3A_840 = arith.constant 64 : i32
        %add3A_841 = vector.broadcast %add3A_840 : i32 to vector<16xi32>
        %add3A_842 = arith.addi %iota3A_839, %add3A_841 : vector<16xi32>
        %eq3A_843 = arith.cmpi eq, %bitcast3A_838, %scan3A_6 : vector<16xi32>
        %ge3A_844 = arith.cmpi sge, %add3A_842, %or3A_785 : vector<16xi32>
        %and3A_845 = arith.andi %eq3A_843, %ge3A_844 : vector<16xi1>
        %all_reduce_population_count3A_846 = tpu.all_reduce %and3A_845 {dim = 0 : i64, kind = #tpu.reduction_kind<sum>} : vector<16xi1> -> vector<16xi32>
        %add3A_847 = arith.addi %add3A_835, %all_reduce_population_count3A_846 : vector<16xi32>
        %get3A_848 = arith.constant 80 : index
        %get3A_849 = tpu.vector_load %arg7[%get3A_848] {strides = array<i32>} : memref<384xf32, #tpu.memory_space<vmem>>, vector<16xf32>,
        %bitcast3A_850 = vector.bitcast %get3A_849 : vector<16xf32> to vector<16xi32>
        %iota3A_851 = tpu.iota {dimensions = array<i32: 0>} : vector<16xi32>
        %add3A_852 = arith.constant 80 : i32
        %add3A_853 = vector.broadcast %add3A_852 : i32 to vector<16xi32>
        %add3A_854 = arith.addi %iota3A_851, %add3A_853 : vector<16xi32>
        %eq3A_855 = arith.cmpi eq, %bitcast3A_850, %scan3A_6 : vector<16xi32>
        %ge3A_856 = arith.cmpi sge, %add3A_854, %or3A_785 : vector<16xi32>
        %and3A_857 = arith.andi %eq3A_855, %ge3A_856 : vector<16xi1>
        %all_reduce_population_count3A_858 = tpu.all_reduce %and3A_857 {dim = 0 : i64, kind = #tpu.reduction_kind<sum>} : vector<16xi1> -> vector<16xi32>
        %add3A_859 = arith.addi %add3A_847, %all_reduce_population_count3A_858 : vector<16xi32>
        %get3A_860 = arith.constant 96 : index
        %get3A_861 = tpu.vector_load %arg7[%get3A_860] {strides = array<i32>} : memref<384xf32, #tpu.memory_space<vmem>>, vector<16xf32>,
        %bitcast3A_862 = vector.bitcast %get3A_861 : vector<16xf32> to vector<16xi32>
        %iota3A_863 = tpu.iota {dimensions = array<i32: 0>} : vector<16xi32>
        %add3A_864 = arith.constant 96 : i32
        %add3A_865 = vector.broadcast %add3A_864 : i32 to vector<16xi32>
        %add3A_866 = arith.addi %iota3A_863, %add3A_865 : vector<16xi32>
        %eq3A_867 = arith.cmpi eq, %bitcast3A_862, %scan3A_6 : vector<16xi32>
        %ge3A_868 = arith.cmpi sge, %add3A_866, %or3A_785 : vector<16xi32>
        %and3A_869 = arith.andi %eq3A_867, %ge3A_868 : vector<16xi1>
        %all_reduce_population_count3A_870 = tpu.all_reduce %and3A_869 {dim = 0 : i64, kind = #tpu.reduction_kind<sum>} : vector<16xi1> -> vector<16xi32>
        %add3A_871 = arith.addi %add3A_859, %all_reduce_population_count3A_870 : vector<16xi32>
        %get3A_872 = arith.constant 112 : index
        %get3A_873 = tpu.vector_load %arg7[%get3A_872] {strides = array<i32>} : memref<384xf32, #tpu.memory_space<vmem>>, vector<16xf32>,
        %bitcast3A_874 = vector.bitcast %get3A_873 : vector<16xf32> to vector<16xi32>
        %iota3A_875 = tpu.iota {dimensions = array<i32: 0>} : vector<16xi32>
        %add3A_876 = arith.constant 112 : i32
        %add3A_877 = vector.broadcast %add3A_876 : i32 to vector<16xi32>
        %add3A_878 = arith.addi %iota3A_875, %add3A_877 : vector<16xi32>
        %eq3A_879 = arith.cmpi eq, %bitcast3A_874, %scan3A_6 : vector<16xi32>
        %ge3A_880 = arith.cmpi sge, %add3A_878, %or3A_785 : vector<16xi32>
        %and3A_881 = arith.andi %eq3A_879, %ge3A_880 : vector<16xi1>
        %all_reduce_population_count3A_882 = tpu.all_reduce %and3A_881 {dim = 0 : i64, kind = #tpu.reduction_kind<sum>} : vector<16xi1> -> vector<16xi32>
        %add3A_883 = arith.addi %add3A_871, %all_reduce_population_count3A_882 : vector<16xi32>
        %get3A_884 = arith.constant 128 : index
        %get3A_885 = tpu.vector_load %arg7[%get3A_884] {strides = array<i32>} : memref<384xf32, #tpu.memory_space<vmem>>, vector<16xf32>,
        %bitcast3A_886 = vector.bitcast %get3A_885 : vector<16xf32> to vector<16xi32>
        %iota3A_887 = tpu.iota {dimensions = array<i32: 0>} : vector<16xi32>
        %add3A_888 = arith.constant 128 : i32
        %add3A_889 = vector.broadcast %add3A_888 : i32 to vector<16xi32>
        %add3A_890 = arith.addi %iota3A_887, %add3A_889 : vector<16xi32>
        %eq3A_891 = arith.cmpi eq, %bitcast3A_886, %scan3A_6 : vector<16xi32>
        %ge3A_892 = arith.cmpi sge, %add3A_890, %or3A_785 : vector<16xi32>
        %and3A_893 = arith.andi %eq3A_891, %ge3A_892 : vector<16xi1>
        %all_reduce_population_count3A_894 = tpu.all_reduce %and3A_893 {dim = 0 : i64, kind = #tpu.reduction_kind<sum>} : vector<16xi1> -> vector<16xi32>
        %add3A_895 = arith.addi %add3A_883, %all_reduce_population_count3A_894 : vector<16xi32>
        %get3A_896 = arith.constant 144 : index
        %get3A_897 = tpu.vector_load %arg7[%get3A_896] {strides = array<i32>} : memref<384xf32, #tpu.memory_space<vmem>>, vector<16xf32>,
        %bitcast3A_898 = vector.bitcast %get3A_897 : vector<16xf32> to vector<16xi32>
        %iota3A_899 = tpu.iota {dimensions = array<i32: 0>} : vector<16xi32>
        %add3A_900 = arith.constant 144 : i32
        %add3A_901 = vector.broadcast %add3A_900 : i32 to vector<16xi32>
        %add3A_902 = arith.addi %iota3A_899, %add3A_901 : vector<16xi32>
        %eq3A_903 = arith.cmpi eq, %bitcast3A_898, %scan3A_6 : vector<16xi32>
        %ge3A_904 = arith.cmpi sge, %add3A_902, %or3A_785 : vector<16xi32>
        %and3A_905 = arith.andi %eq3A_903, %ge3A_904 : vector<16xi1>
        %all_reduce_population_count3A_906 = tpu.all_reduce %and3A_905 {dim = 0 : i64, kind = #tpu.reduction_kind<sum>} : vector<16xi1> -> vector<16xi32>
        %add3A_907 = arith.addi %add3A_895, %all_reduce_population_count3A_906 : vector<16xi32>
        %get3A_908 = arith.constant 160 : index
        %get3A_909 = tpu.vector_load %arg7[%get3A_908] {strides = array<i32>} : memref<384xf32, #tpu.memory_space<vmem>>, vector<16xf32>,
        %bitcast3A_910 = vector.bitcast %get3A_909 : vector<16xf32> to vector<16xi32>
        %iota3A_911 = tpu.iota {dimensions = array<i32: 0>} : vector<16xi32>
        %add3A_912 = arith.constant 160 : i32
        %add3A_913 = vector.broadcast %add3A_912 : i32 to vector<16xi32>
        %add3A_914 = arith.addi %iota3A_911, %add3A_913 : vector<16xi32>
        %eq3A_915 = arith.cmpi eq, %bitcast3A_910, %scan3A_6 : vector<16xi32>
        %ge3A_916 = arith.cmpi sge, %add3A_914, %or3A_785 : vector<16xi32>
        %and3A_917 = arith.andi %eq3A_915, %ge3A_916 : vector<16xi1>
        %all_reduce_population_count3A_918 = tpu.all_reduce %and3A_917 {dim = 0 : i64, kind = #tpu.reduction_kind<sum>} : vector<16xi1> -> vector<16xi32>
        %add3A_919 = arith.addi %add3A_907, %all_reduce_population_count3A_918 : vector<16xi32>
        %get3A_920 = arith.constant 176 : index
        %get3A_921 = tpu.vector_load %arg7[%get3A_920] {strides = array<i32>} : memref<384xf32, #tpu.memory_space<vmem>>, vector<16xf32>,
        %bitcast3A_922 = vector.bitcast %get3A_921 : vector<16xf32> to vector<16xi32>
        %iota3A_923 = tpu.iota {dimensions = array<i32: 0>} : vector<16xi32>
        %add3A_924 = arith.constant 176 : i32
        %add3A_925 = vector.broadcast %add3A_924 : i32 to vector<16xi32>
        %add3A_926 = arith.addi %iota3A_923, %add3A_925 : vector<16xi32>
        %eq3A_927 = arith.cmpi eq, %bitcast3A_922, %scan3A_6 : vector<16xi32>
        %ge3A_928 = arith.cmpi sge, %add3A_926, %or3A_785 : vector<16xi32>
        %and3A_929 = arith.andi %eq3A_927, %ge3A_928 : vector<16xi1>
        %all_reduce_population_count3A_930 = tpu.all_reduce %and3A_929 {dim = 0 : i64, kind = #tpu.reduction_kind<sum>} : vector<16xi1> -> vector<16xi32>
        %add3A_931 = arith.addi %add3A_919, %all_reduce_population_count3A_930 : vector<16xi32>
        %get3A_932 = arith.constant 192 : index
        %get3A_933 = tpu.vector_load %arg7[%get3A_932] {strides = array<i32>} : memref<384xf32, #tpu.memory_space<vmem>>, vector<16xf32>,
        %bitcast3A_934 = vector.bitcast %get3A_933 : vector<16xf32> to vector<16xi32>
        %iota3A_935 = tpu.iota {dimensions = array<i32: 0>} : vector<16xi32>
        %add3A_936 = arith.constant 192 : i32
        %add3A_937 = vector.broadcast %add3A_936 : i32 to vector<16xi32>
        %add3A_938 = arith.addi %iota3A_935, %add3A_937 : vector<16xi32>
        %eq3A_939 = arith.cmpi eq, %bitcast3A_934, %scan3A_6 : vector<16xi32>
        %ge3A_940 = arith.cmpi sge, %add3A_938, %or3A_785 : vector<16xi32>
        %and3A_941 = arith.andi %eq3A_939, %ge3A_940 : vector<16xi1>
        %all_reduce_population_count3A_942 = tpu.all_reduce %and3A_941 {dim = 0 : i64, kind = #tpu.reduction_kind<sum>} : vector<16xi1> -> vector<16xi32>
        %add3A_943 = arith.addi %add3A_931, %all_reduce_population_count3A_942 : vector<16xi32>
        %get3A_944 = arith.constant 208 : index
        %get3A_945 = tpu.vector_load %arg7[%get3A_944] {strides = array<i32>} : memref<384xf32, #tpu.memory_space<vmem>>, vector<16xf32>,
        %bitcast3A_946 = vector.bitcast %get3A_945 : vector<16xf32> to vector<16xi32>
        %iota3A_947 = tpu.iota {dimensions = array<i32: 0>} : vector<16xi32>
        %add3A_948 = arith.constant 208 : i32
        %add3A_949 = vector.broadcast %add3A_948 : i32 to vector<16xi32>
        %add3A_950 = arith.addi %iota3A_947, %add3A_949 : vector<16xi32>
        %eq3A_951 = arith.cmpi eq, %bitcast3A_946, %scan3A_6 : vector<16xi32>
        %ge3A_952 = arith.cmpi sge, %add3A_950, %or3A_785 : vector<16xi32>
        %and3A_953 = arith.andi %eq3A_951, %ge3A_952 : vector<16xi1>
        %all_reduce_population_count3A_954 = tpu.all_reduce %and3A_953 {dim = 0 : i64, kind = #tpu.reduction_kind<sum>} : vector<16xi1> -> vector<16xi32>
        %add3A_955 = arith.addi %add3A_943, %all_reduce_population_count3A_954 : vector<16xi32>
        %get3A_956 = arith.constant 224 : index
        %get3A_957 = tpu.vector_load %arg7[%get3A_956] {strides = array<i32>} : memref<384xf32, #tpu.memory_space<vmem>>, vector<16xf32>,
        %bitcast3A_958 = vector.bitcast %get3A_957 : vector<16xf32> to vector<16xi32>
        %iota3A_959 = tpu.iota {dimensions = array<i32: 0>} : vector<16xi32>
        %add3A_960 = arith.constant 224 : i32
        %add3A_961 = vector.broadcast %add3A_960 : i32 to vector<16xi32>
        %add3A_962 = arith.addi %iota3A_959, %add3A_961 : vector<16xi32>
        %eq3A_963 = arith.cmpi eq, %bitcast3A_958, %scan3A_6 : vector<16xi32>
        %ge3A_964 = arith.cmpi sge, %add3A_962, %or3A_785 : vector<16xi32>
        %and3A_965 = arith.andi %eq3A_963, %ge3A_964 : vector<16xi1>
        %all_reduce_population_count3A_966 = tpu.all_reduce %and3A_965 {dim = 0 : i64, kind = #tpu.reduction_kind<sum>} : vector<16xi1> -> vector<16xi32>
        %add3A_967 = arith.addi %add3A_955, %all_reduce_population_count3A_966 : vector<16xi32>
        %get3A_968 = arith.constant 240 : index
        %get3A_969 = tpu.vector_load %arg7[%get3A_968] {strides = array<i32>} : memref<384xf32, #tpu.memory_space<vmem>>, vector<16xf32>,
        %bitcast3A_970 = vector.bitcast %get3A_969 : vector<16xf32> to vector<16xi32>
        %iota3A_971 = tpu.iota {dimensions = array<i32: 0>} : vector<16xi32>
        %add3A_972 = arith.constant 240 : i32
        %add3A_973 = vector.broadcast %add3A_972 : i32 to vector<16xi32>
        %add3A_974 = arith.addi %iota3A_971, %add3A_973 : vector<16xi32>
        %eq3A_975 = arith.cmpi eq, %bitcast3A_970, %scan3A_6 : vector<16xi32>
        %ge3A_976 = arith.cmpi sge, %add3A_974, %or3A_785 : vector<16xi32>
        %and3A_977 = arith.andi %eq3A_975, %ge3A_976 : vector<16xi1>
        %all_reduce_population_count3A_978 = tpu.all_reduce %and3A_977 {dim = 0 : i64, kind = #tpu.reduction_kind<sum>} : vector<16xi1> -> vector<16xi32>
        %add3A_979 = arith.addi %add3A_967, %all_reduce_population_count3A_978 : vector<16xi32>
        %get3A_980 = arith.constant 256 : index
        %get3A_981 = tpu.vector_load %arg7[%get3A_980] {strides = array<i32>} : memref<384xf32, #tpu.memory_space<vmem>>, vector<16xf32>,
        %bitcast3A_982 = vector.bitcast %get3A_981 : vector<16xf32> to vector<16xi32>
        %iota3A_983 = tpu.iota {dimensions = array<i32: 0>} : vector<16xi32>
        %add3A_984 = arith.constant 256 : i32
        %add3A_985 = vector.broadcast %add3A_984 : i32 to vector<16xi32>
        %add3A_986 = arith.addi %iota3A_983, %add3A_985 : vector<16xi32>
        %eq3A_987 = arith.cmpi eq, %bitcast3A_982, %scan3A_6 : vector<16xi32>
        %ge3A_988 = arith.cmpi sge, %add3A_986, %or3A_785 : vector<16xi32>
        %and3A_989 = arith.andi %eq3A_987, %ge3A_988 : vector<16xi1>
        %all_reduce_population_count3A_990 = tpu.all_reduce %and3A_989 {dim = 0 : i64, kind = #tpu.reduction_kind<sum>} : vector<16xi1> -> vector<16xi32>
        %add3A_991 = arith.addi %add3A_979, %all_reduce_population_count3A_990 : vector<16xi32>
        %get3A_992 = arith.constant 272 : index
        %get3A_993 = tpu.vector_load %arg7[%get3A_992] {strides = array<i32>} : memref<384xf32, #tpu.memory_space<vmem>>, vector<16xf32>,
        %bitcast3A_994 = vector.bitcast %get3A_993 : vector<16xf32> to vector<16xi32>
        %iota3A_995 = tpu.iota {dimensions = array<i32: 0>} : vector<16xi32>
        %add3A_996 = arith.constant 272 : i32
        %add3A_997 = vector.broadcast %add3A_996 : i32 to vector<16xi32>
        %add3A_998 = arith.addi %iota3A_995, %add3A_997 : vector<16xi32>
        %eq3A_999 = arith.cmpi eq, %bitcast3A_994, %scan3A_6 : vector<16xi32>
        %ge3A_1000 = arith.cmpi sge, %add3A_998, %or3A_785 : vector<16xi32>
        %and3A_1001 = arith.andi %eq3A_999, %ge3A_1000 : vector<16xi1>
        %all_reduce_population_count3A_1002 = tpu.all_reduce %and3A_1001 {dim = 0 : i64, kind = #tpu.reduction_kind<sum>} : vector<16xi1> -> vector<16xi32>
        %add3A_1003 = arith.addi %add3A_991, %all_reduce_population_count3A_1002 : vector<16xi32>
        %get3A_1004 = arith.constant 288 : index
        %get3A_1005 = tpu.vector_load %arg7[%get3A_1004] {strides = array<i32>} : memref<384xf32, #tpu.memory_space<vmem>>, vector<16xf32>,
        %bitcast3A_1006 = vector.bitcast %get3A_1005 : vector<16xf32> to vector<16xi32>
        %iota3A_1007 = tpu.iota {dimensions = array<i32: 0>} : vector<16xi32>
        %add3A_1008 = arith.constant 288 : i32
        %add3A_1009 = vector.broadcast %add3A_1008 : i32 to vector<16xi32>
        %add3A_1010 = arith.addi %iota3A_1007, %add3A_1009 : vector<16xi32>
        %eq3A_1011 = arith.cmpi eq, %bitcast3A_1006, %scan3A_6 : vector<16xi32>
        %ge3A_1012 = arith.cmpi sge, %add3A_1010, %or3A_785 : vector<16xi32>
        %and3A_1013 = arith.andi %eq3A_1011, %ge3A_1012 : vector<16xi1>
        %all_reduce_population_count3A_1014 = tpu.all_reduce %and3A_1013 {dim = 0 : i64, kind = #tpu.reduction_kind<sum>} : vector<16xi1> -> vector<16xi32>
        %add3A_1015 = arith.addi %add3A_1003, %all_reduce_population_count3A_1014 : vector<16xi32>
        %get3A_1016 = arith.constant 304 : index
        %get3A_1017 = tpu.vector_load %arg7[%get3A_1016] {strides = array<i32>} : memref<384xf32, #tpu.memory_space<vmem>>, vector<16xf32>,
        %bitcast3A_1018 = vector.bitcast %get3A_1017 : vector<16xf32> to vector<16xi32>
        %iota3A_1019 = tpu.iota {dimensions = array<i32: 0>} : vector<16xi32>
        %add3A_1020 = arith.constant 304 : i32
        %add3A_1021 = vector.broadcast %add3A_1020 : i32 to vector<16xi32>
        %add3A_1022 = arith.addi %iota3A_1019, %add3A_1021 : vector<16xi32>
        %eq3A_1023 = arith.cmpi eq, %bitcast3A_1018, %scan3A_6 : vector<16xi32>
        %ge3A_1024 = arith.cmpi sge, %add3A_1022, %or3A_785 : vector<16xi32>
        %and3A_1025 = arith.andi %eq3A_1023, %ge3A_1024 : vector<16xi1>
        %all_reduce_population_count3A_1026 = tpu.all_reduce %and3A_1025 {dim = 0 : i64, kind = #tpu.reduction_kind<sum>} : vector<16xi1> -> vector<16xi32>
        %add3A_1027 = arith.addi %add3A_1015, %all_reduce_population_count3A_1026 : vector<16xi32>
        %get3A_1028 = arith.constant 320 : index
        %get3A_1029 = tpu.vector_load %arg7[%get3A_1028] {strides = array<i32>} : memref<384xf32, #tpu.memory_space<vmem>>, vector<16xf32>,
        %bitcast3A_1030 = vector.bitcast %get3A_1029 : vector<16xf32> to vector<16xi32>
        %iota3A_1031 = tpu.iota {dimensions = array<i32: 0>} : vector<16xi32>
        %add3A_1032 = arith.constant 320 : i32
        %add3A_1033 = vector.broadcast %add3A_1032 : i32 to vector<16xi32>
        %add3A_1034 = arith.addi %iota3A_1031, %add3A_1033 : vector<16xi32>
        %eq3A_1035 = arith.cmpi eq, %bitcast3A_1030, %scan3A_6 : vector<16xi32>
        %ge3A_1036 = arith.cmpi sge, %add3A_1034, %or3A_785 : vector<16xi32>
        %and3A_1037 = arith.andi %eq3A_1035, %ge3A_1036 : vector<16xi1>
        %all_reduce_population_count3A_1038 = tpu.all_reduce %and3A_1037 {dim = 0 : i64, kind = #tpu.reduction_kind<sum>} : vector<16xi1> -> vector<16xi32>
        %add3A_1039 = arith.addi %add3A_1027, %all_reduce_population_count3A_1038 : vector<16xi32>
        %get3A_1040 = arith.constant 336 : index
        %get3A_1041 = tpu.vector_load %arg7[%get3A_1040] {strides = array<i32>} : memref<384xf32, #tpu.memory_space<vmem>>, vector<16xf32>,
        %bitcast3A_1042 = vector.bitcast %get3A_1041 : vector<16xf32> to vector<16xi32>
        %iota3A_1043 = tpu.iota {dimensions = array<i32: 0>} : vector<16xi32>
        %add3A_1044 = arith.constant 336 : i32
        %add3A_1045 = vector.broadcast %add3A_1044 : i32 to vector<16xi32>
        %add3A_1046 = arith.addi %iota3A_1043, %add3A_1045 : vector<16xi32>
        %eq3A_1047 = arith.cmpi eq, %bitcast3A_1042, %scan3A_6 : vector<16xi32>
        %ge3A_1048 = arith.cmpi sge, %add3A_1046, %or3A_785 : vector<16xi32>
        %and3A_1049 = arith.andi %eq3A_1047, %ge3A_1048 : vector<16xi1>
        %all_reduce_population_count3A_1050 = tpu.all_reduce %and3A_1049 {dim = 0 : i64, kind = #tpu.reduction_kind<sum>} : vector<16xi1> -> vector<16xi32>
        %add3A_1051 = arith.addi %add3A_1039, %all_reduce_population_count3A_1050 : vector<16xi32>
        %get3A_1052 = arith.constant 352 : index
        %get3A_1053 = tpu.vector_load %arg7[%get3A_1052] {strides = array<i32>} : memref<384xf32, #tpu.memory_space<vmem>>, vector<16xf32>,
        %bitcast3A_1054 = vector.bitcast %get3A_1053 : vector<16xf32> to vector<16xi32>
        %iota3A_1055 = tpu.iota {dimensions = array<i32: 0>} : vector<16xi32>
        %add3A_1056 = arith.constant 352 : i32
        %add3A_1057 = vector.broadcast %add3A_1056 : i32 to vector<16xi32>
        %add3A_1058 = arith.addi %iota3A_1055, %add3A_1057 : vector<16xi32>
        %eq3A_1059 = arith.cmpi eq, %bitcast3A_1054, %scan3A_6 : vector<16xi32>
        %ge3A_1060 = arith.cmpi sge, %add3A_1058, %or3A_785 : vector<16xi32>
        %and3A_1061 = arith.andi %eq3A_1059, %ge3A_1060 : vector<16xi1>
        %all_reduce_population_count3A_1062 = tpu.all_reduce %and3A_1061 {dim = 0 : i64, kind = #tpu.reduction_kind<sum>} : vector<16xi1> -> vector<16xi32>
        %add3A_1063 = arith.addi %add3A_1051, %all_reduce_population_count3A_1062 : vector<16xi32>
        %get3A_1064 = arith.constant 368 : index
        %get3A_1065 = tpu.vector_load %arg7[%get3A_1064] {strides = array<i32>} : memref<384xf32, #tpu.memory_space<vmem>>, vector<16xf32>,
        %bitcast3A_1066 = vector.bitcast %get3A_1065 : vector<16xf32> to vector<16xi32>
        %iota3A_1067 = tpu.iota {dimensions = array<i32: 0>} : vector<16xi32>
        %add3A_1068 = arith.constant 368 : i32
        %add3A_1069 = vector.broadcast %add3A_1068 : i32 to vector<16xi32>
        %add3A_1070 = arith.addi %iota3A_1067, %add3A_1069 : vector<16xi32>
        %eq3A_1071 = arith.cmpi eq, %bitcast3A_1066, %scan3A_6 : vector<16xi32>
        %ge3A_1072 = arith.cmpi sge, %add3A_1070, %or3A_785 : vector<16xi32>
        %and3A_1073 = arith.andi %eq3A_1071, %ge3A_1072 : vector<16xi1>
        %all_reduce_population_count3A_1074 = tpu.all_reduce %and3A_1073 {dim = 0 : i64, kind = #tpu.reduction_kind<sum>} : vector<16xi1> -> vector<16xi32>
        %add3A_1075 = arith.addi %add3A_1063, %all_reduce_population_count3A_1074 : vector<16xi32>
        %ge3A_1076 = arith.cmpi sge, %add3A_1075, %sub3A_153 : vector<16xi32>
        %select_n3A_1077 = arith.select %ge3A_1076, %or3A_785, %scan3A_780 : vector<16xi1>, vector<16xi32>
        scf.yield %select_n3A_1077 : vector<16xi32>
      }
      %scan3A_161 = arith.constant 9 : i32
      %get3A_162 = arith.constant 0 : index
      %get3A_163 = tpu.vector_load %arg7[%get3A_162] {strides = array<i32>} : memref<384xf32, #tpu.memory_space<vmem>>, vector<16xf32>,
      %bitcast3A_164 = vector.bitcast %get3A_163 : vector<16xf32> to vector<16xi32>
      %iota3A = tpu.iota {dimensions = array<i32: 0>} : vector<16xi32>
      %add3A_165 = arith.constant 0 : i32
      %add3A_166 = vector.broadcast %add3A_165 : i32 to vector<16xi32>
      %add3A_167 = arith.addi %iota3A, %add3A_166 : vector<16xi32>
      %gt3A = arith.cmpi sgt, %bitcast3A_164, %scan3A_6 : vector<16xi32>
      %eq3A_168 = arith.cmpi eq, %bitcast3A_164, %scan3A_6 : vector<16xi32>
      %ge3A_169 = arith.cmpi sge, %add3A_167, %scan3A_160 : vector<16xi32>
      %and3A = arith.andi %eq3A_168, %ge3A_169 : vector<16xi1>
      %or3A = arith.ori %gt3A, %and3A : vector<16xi1>
      %get3A_170 = arith.constant 0 : index
      %get3A_171 = tpu.vector_load %arg9[%get3A_170] {strides = array<i32>} : memref<384xf32, #tpu.memory_space<vmem>>, vector<16xf32>,
      %jit3A = arith.constant 1.000000e+00 : f32
      %broadcast_in_dim3A_172 = vector.broadcast %jit3A : f32 to vector<16xf32>
      %select_n3A = arith.select %or3A, %get3A_171, %broadcast_in_dim3A_172 : vector<16xi1>, vector<16xf32>
      %swap3A = arith.constant 0 : index
      %swap3A_173 = tpu.vector_load %arg10[%swap3A] {strides = array<i32>} : memref<384xf32, #tpu.memory_space<vmem>>, vector<16xf32>,
      tpu.vector_store %arg10[%swap3A], %select_n3A {strides = array<i32>} : memref<384xf32, #tpu.memory_space<vmem>>, vector<16xf32>,
      %get3A_174 = arith.constant 0 : index
      %get3A_175 = tpu.vector_load %arg8[%get3A_174] {strides = array<i32>} : memref<384xi32, #tpu.memory_space<vmem>>, vector<16xi32>,
      %jit3A_176 = arith.constant 280 : i32
      %broadcast_in_dim3A_177 = vector.broadcast %jit3A_176 : i32 to vector<16xi32>
      %select_n3A_178 = arith.select %or3A, %get3A_175, %broadcast_in_dim3A_177 : vector<16xi1>, vector<16xi32>
      %swap3A_179 = arith.constant 0 : index
      %swap3A_180 = tpu.vector_load %arg11[%swap3A_179] {strides = array<i32>} : memref<384xi32, #tpu.memory_space<vmem>>, vector<16xi32>,
      tpu.vector_store %arg11[%swap3A_179], %select_n3A_178 {strides = array<i32>} : memref<384xi32, #tpu.memory_space<vmem>>, vector<16xi32>,
      %get3A_181 = arith.constant 16 : index
      %get3A_182 = tpu.vector_load %arg7[%get3A_181] {strides = array<i32>} : memref<384xf32, #tpu.memory_space<vmem>>, vector<16xf32>,
      %bitcast3A_183 = vector.bitcast %get3A_182 : vector<16xf32> to vector<16xi32>
      %iota3A_184 = tpu.iota {dimensions = array<i32: 0>} : vector<16xi32>
      %add3A_185 = arith.constant 16 : i32
      %add3A_186 = vector.broadcast %add3A_185 : i32 to vector<16xi32>
      %add3A_187 = arith.addi %iota3A_184, %add3A_186 : vector<16xi32>
      %gt3A_188 = arith.cmpi sgt, %bitcast3A_183, %scan3A_6 : vector<16xi32>
      %eq3A_189 = arith.cmpi eq, %bitcast3A_183, %scan3A_6 : vector<16xi32>
      %ge3A_190 = arith.cmpi sge, %add3A_187, %scan3A_160 : vector<16xi32>
      %and3A_191 = arith.andi %eq3A_189, %ge3A_190 : vector<16xi1>
      %or3A_192 = arith.ori %gt3A_188, %and3A_191 : vector<16xi1>
      %get3A_193 = arith.constant 16 : index
      %get3A_194 = tpu.vector_load %arg9[%get3A_193] {strides = array<i32>} : memref<384xf32, #tpu.memory_space<vmem>>, vector<16xf32>,
      %jit3A_195 = arith.constant 1.000000e+00 : f32
      %broadcast_in_dim3A_196 = vector.broadcast %jit3A_195 : f32 to vector<16xf32>
      %select_n3A_197 = arith.select %or3A_192, %get3A_194, %broadcast_in_dim3A_196 : vector<16xi1>, vector<16xf32>
      %swap3A_198 = arith.constant 16 : index
      %swap3A_199 = tpu.vector_load %arg10[%swap3A_198] {strides = array<i32>} : memref<384xf32, #tpu.memory_space<vmem>>, vector<16xf32>,
      tpu.vector_store %arg10[%swap3A_198], %select_n3A_197 {strides = array<i32>} : memref<384xf32, #tpu.memory_space<vmem>>, vector<16xf32>,
      %get3A_200 = arith.constant 16 : index
      %get3A_201 = tpu.vector_load %arg8[%get3A_200] {strides = array<i32>} : memref<384xi32, #tpu.memory_space<vmem>>, vector<16xi32>,
      %jit3A_202 = arith.constant 280 : i32
      %broadcast_in_dim3A_203 = vector.broadcast %jit3A_202 : i32 to vector<16xi32>
      %select_n3A_204 = arith.select %or3A_192, %get3A_201, %broadcast_in_dim3A_203 : vector<16xi1>, vector<16xi32>
      %swap3A_205 = arith.constant 16 : index
      %swap3A_206 = tpu.vector_load %arg11[%swap3A_205] {strides = array<i32>} : memref<384xi32, #tpu.memory_space<vmem>>, vector<16xi32>,
      tpu.vector_store %arg11[%swap3A_205], %select_n3A_204 {strides = array<i32>} : memref<384xi32, #tpu.memory_space<vmem>>, vector<16xi32>,
      %get3A_207 = arith.constant 32 : index
      %get3A_208 = tpu.vector_load %arg7[%get3A_207] {strides = array<i32>} : memref<384xf32, #tpu.memory_space<vmem>>, vector<16xf32>,
      %bitcast3A_209 = vector.bitcast %get3A_208 : vector<16xf32> to vector<16xi32>
      %iota3A_210 = tpu.iota {dimensions = array<i32: 0>} : vector<16xi32>
      %add3A_211 = arith.constant 32 : i32
      %add3A_212 = vector.broadcast %add3A_211 : i32 to vector<16xi32>
      %add3A_213 = arith.addi %iota3A_210, %add3A_212 : vector<16xi32>
      %gt3A_214 = arith.cmpi sgt, %bitcast3A_209, %scan3A_6 : vector<16xi32>
      %eq3A_215 = arith.cmpi eq, %bitcast3A_209, %scan3A_6 : vector<16xi32>
      %ge3A_216 = arith.cmpi sge, %add3A_213, %scan3A_160 : vector<16xi32>
      %and3A_217 = arith.andi %eq3A_215, %ge3A_216 : vector<16xi1>
      %or3A_218 = arith.ori %gt3A_214, %and3A_217 : vector<16xi1>
      %get3A_219 = arith.constant 32 : index
      %get3A_220 = tpu.vector_load %arg9[%get3A_219] {strides = array<i32>} : memref<384xf32, #tpu.memory_space<vmem>>, vector<16xf32>,
      %jit3A_221 = arith.constant 1.000000e+00 : f32
      %broadcast_in_dim3A_222 = vector.broadcast %jit3A_221 : f32 to vector<16xf32>
      %select_n3A_223 = arith.select %or3A_218, %get3A_220, %broadcast_in_dim3A_222 : vector<16xi1>, vector<16xf32>
      %swap3A_224 = arith.constant 32 : index
      %swap3A_225 = tpu.vector_load %arg10[%swap3A_224] {strides = array<i32>} : memref<384xf32, #tpu.memory_space<vmem>>, vector<16xf32>,
      tpu.vector_store %arg10[%swap3A_224], %select_n3A_223 {strides = array<i32>} : memref<384xf32, #tpu.memory_space<vmem>>, vector<16xf32>,
      %get3A_226 = arith.constant 32 : index
      %get3A_227 = tpu.vector_load %arg8[%get3A_226] {strides = array<i32>} : memref<384xi32, #tpu.memory_space<vmem>>, vector<16xi32>,
      %jit3A_228 = arith.constant 280 : i32
      %broadcast_in_dim3A_229 = vector.broadcast %jit3A_228 : i32 to vector<16xi32>
      %select_n3A_230 = arith.select %or3A_218, %get3A_227, %broadcast_in_dim3A_229 : vector<16xi1>, vector<16xi32>
      %swap3A_231 = arith.constant 32 : index
      %swap3A_232 = tpu.vector_load %arg11[%swap3A_231] {strides = array<i32>} : memref<384xi32, #tpu.memory_space<vmem>>, vector<16xi32>,
      tpu.vector_store %arg11[%swap3A_231], %select_n3A_230 {strides = array<i32>} : memref<384xi32, #tpu.memory_space<vmem>>, vector<16xi32>,
      %get3A_233 = arith.constant 48 : index
      %get3A_234 = tpu.vector_load %arg7[%get3A_233] {strides = array<i32>} : memref<384xf32, #tpu.memory_space<vmem>>, vector<16xf32>,
      %bitcast3A_235 = vector.bitcast %get3A_234 : vector<16xf32> to vector<16xi32>
      %iota3A_236 = tpu.iota {dimensions = array<i32: 0>} : vector<16xi32>
      %add3A_237 = arith.constant 48 : i32
      %add3A_238 = vector.broadcast %add3A_237 : i32 to vector<16xi32>
      %add3A_239 = arith.addi %iota3A_236, %add3A_238 : vector<16xi32>
      %gt3A_240 = arith.cmpi sgt, %bitcast3A_235, %scan3A_6 : vector<16xi32>
      %eq3A_241 = arith.cmpi eq, %bitcast3A_235, %scan3A_6 : vector<16xi32>
      %ge3A_242 = arith.cmpi sge, %add3A_239, %scan3A_160 : vector<16xi32>
      %and3A_243 = arith.andi %eq3A_241, %ge3A_242 : vector<16xi1>
      %or3A_244 = arith.ori %gt3A_240, %and3A_243 : vector<16xi1>
      %get3A_245 = arith.constant 48 : index
      %get3A_246 = tpu.vector_load %arg9[%get3A_245] {strides = array<i32>} : memref<384xf32, #tpu.memory_space<vmem>>, vector<16xf32>,
      %jit3A_247 = arith.constant 1.000000e+00 : f32
      %broadcast_in_dim3A_248 = vector.broadcast %jit3A_247 : f32 to vector<16xf32>
      %select_n3A_249 = arith.select %or3A_244, %get3A_246, %broadcast_in_dim3A_248 : vector<16xi1>, vector<16xf32>
      %swap3A_250 = arith.constant 48 : index
      %swap3A_251 = tpu.vector_load %arg10[%swap3A_250] {strides = array<i32>} : memref<384xf32, #tpu.memory_space<vmem>>, vector<16xf32>,
      tpu.vector_store %arg10[%swap3A_250], %select_n3A_249 {strides = array<i32>} : memref<384xf32, #tpu.memory_space<vmem>>, vector<16xf32>,
      %get3A_252 = arith.constant 48 : index
      %get3A_253 = tpu.vector_load %arg8[%get3A_252] {strides = array<i32>} : memref<384xi32, #tpu.memory_space<vmem>>, vector<16xi32>,
      %jit3A_254 = arith.constant 280 : i32
      %broadcast_in_dim3A_255 = vector.broadcast %jit3A_254 : i32 to vector<16xi32>
      %select_n3A_256 = arith.select %or3A_244, %get3A_253, %broadcast_in_dim3A_255 : vector<16xi1>, vector<16xi32>
      %swap3A_257 = arith.constant 48 : index
      %swap3A_258 = tpu.vector_load %arg11[%swap3A_257] {strides = array<i32>} : memref<384xi32, #tpu.memory_space<vmem>>, vector<16xi32>,
      tpu.vector_store %arg11[%swap3A_257], %select_n3A_256 {strides = array<i32>} : memref<384xi32, #tpu.memory_space<vmem>>, vector<16xi32>,
      %get3A_259 = arith.constant 64 : index
      %get3A_260 = tpu.vector_load %arg7[%get3A_259] {strides = array<i32>} : memref<384xf32, #tpu.memory_space<vmem>>, vector<16xf32>,
      %bitcast3A_261 = vector.bitcast %get3A_260 : vector<16xf32> to vector<16xi32>
      %iota3A_262 = tpu.iota {dimensions = array<i32: 0>} : vector<16xi32>
      %add3A_263 = arith.constant 64 : i32
      %add3A_264 = vector.broadcast %add3A_263 : i32 to vector<16xi32>
      %add3A_265 = arith.addi %iota3A_262, %add3A_264 : vector<16xi32>
      %gt3A_266 = arith.cmpi sgt, %bitcast3A_261, %scan3A_6 : vector<16xi32>
      %eq3A_267 = arith.cmpi eq, %bitcast3A_261, %scan3A_6 : vector<16xi32>
      %ge3A_268 = arith.cmpi sge, %add3A_265, %scan3A_160 : vector<16xi32>
      %and3A_269 = arith.andi %eq3A_267, %ge3A_268 : vector<16xi1>
      %or3A_270 = arith.ori %gt3A_266, %and3A_269 : vector<16xi1>
      %get3A_271 = arith.constant 64 : index
      %get3A_272 = tpu.vector_load %arg9[%get3A_271] {strides = array<i32>} : memref<384xf32, #tpu.memory_space<vmem>>, vector<16xf32>,
      %jit3A_273 = arith.constant 1.000000e+00 : f32
      %broadcast_in_dim3A_274 = vector.broadcast %jit3A_273 : f32 to vector<16xf32>
      %select_n3A_275 = arith.select %or3A_270, %get3A_272, %broadcast_in_dim3A_274 : vector<16xi1>, vector<16xf32>
      %swap3A_276 = arith.constant 64 : index
      %swap3A_277 = tpu.vector_load %arg10[%swap3A_276] {strides = array<i32>} : memref<384xf32, #tpu.memory_space<vmem>>, vector<16xf32>,
      tpu.vector_store %arg10[%swap3A_276], %select_n3A_275 {strides = array<i32>} : memref<384xf32, #tpu.memory_space<vmem>>, vector<16xf32>,
      %get3A_278 = arith.constant 64 : index
      %get3A_279 = tpu.vector_load %arg8[%get3A_278] {strides = array<i32>} : memref<384xi32, #tpu.memory_space<vmem>>, vector<16xi32>,
      %jit3A_280 = arith.constant 280 : i32
      %broadcast_in_dim3A_281 = vector.broadcast %jit3A_280 : i32 to vector<16xi32>
      %select_n3A_282 = arith.select %or3A_270, %get3A_279, %broadcast_in_dim3A_281 : vector<16xi1>, vector<16xi32>
      %swap3A_283 = arith.constant 64 : index
      %swap3A_284 = tpu.vector_load %arg11[%swap3A_283] {strides = array<i32>} : memref<384xi32, #tpu.memory_space<vmem>>, vector<16xi32>,
      tpu.vector_store %arg11[%swap3A_283], %select_n3A_282 {strides = array<i32>} : memref<384xi32, #tpu.memory_space<vmem>>, vector<16xi32>,
      %get3A_285 = arith.constant 80 : index
      %get3A_286 = tpu.vector_load %arg7[%get3A_285] {strides = array<i32>} : memref<384xf32, #tpu.memory_space<vmem>>, vector<16xf32>,
      %bitcast3A_287 = vector.bitcast %get3A_286 : vector<16xf32> to vector<16xi32>
      %iota3A_288 = tpu.iota {dimensions = array<i32: 0>} : vector<16xi32>
      %add3A_289 = arith.constant 80 : i32
      %add3A_290 = vector.broadcast %add3A_289 : i32 to vector<16xi32>
      %add3A_291 = arith.addi %iota3A_288, %add3A_290 : vector<16xi32>
      %gt3A_292 = arith.cmpi sgt, %bitcast3A_287, %scan3A_6 : vector<16xi32>
      %eq3A_293 = arith.cmpi eq, %bitcast3A_287, %scan3A_6 : vector<16xi32>
      %ge3A_294 = arith.cmpi sge, %add3A_291, %scan3A_160 : vector<16xi32>
      %and3A_295 = arith.andi %eq3A_293, %ge3A_294 : vector<16xi1>
      %or3A_296 = arith.ori %gt3A_292, %and3A_295 : vector<16xi1>
      %get3A_297 = arith.constant 80 : index
      %get3A_298 = tpu.vector_load %arg9[%get3A_297] {strides = array<i32>} : memref<384xf32, #tpu.memory_space<vmem>>, vector<16xf32>,
      %jit3A_299 = arith.constant 1.000000e+00 : f32
      %broadcast_in_dim3A_300 = vector.broadcast %jit3A_299 : f32 to vector<16xf32>
      %select_n3A_301 = arith.select %or3A_296, %get3A_298, %broadcast_in_dim3A_300 : vector<16xi1>, vector<16xf32>
      %swap3A_302 = arith.constant 80 : index
      %swap3A_303 = tpu.vector_load %arg10[%swap3A_302] {strides = array<i32>} : memref<384xf32, #tpu.memory_space<vmem>>, vector<16xf32>,
      tpu.vector_store %arg10[%swap3A_302], %select_n3A_301 {strides = array<i32>} : memref<384xf32, #tpu.memory_space<vmem>>, vector<16xf32>,
      %get3A_304 = arith.constant 80 : index
      %get3A_305 = tpu.vector_load %arg8[%get3A_304] {strides = array<i32>} : memref<384xi32, #tpu.memory_space<vmem>>, vector<16xi32>,
      %jit3A_306 = arith.constant 280 : i32
      %broadcast_in_dim3A_307 = vector.broadcast %jit3A_306 : i32 to vector<16xi32>
      %select_n3A_308 = arith.select %or3A_296, %get3A_305, %broadcast_in_dim3A_307 : vector<16xi1>, vector<16xi32>
      %swap3A_309 = arith.constant 80 : index
      %swap3A_310 = tpu.vector_load %arg11[%swap3A_309] {strides = array<i32>} : memref<384xi32, #tpu.memory_space<vmem>>, vector<16xi32>,
      tpu.vector_store %arg11[%swap3A_309], %select_n3A_308 {strides = array<i32>} : memref<384xi32, #tpu.memory_space<vmem>>, vector<16xi32>,
      %get3A_311 = arith.constant 96 : index
      %get3A_312 = tpu.vector_load %arg7[%get3A_311] {strides = array<i32>} : memref<384xf32, #tpu.memory_space<vmem>>, vector<16xf32>,
      %bitcast3A_313 = vector.bitcast %get3A_312 : vector<16xf32> to vector<16xi32>
      %iota3A_314 = tpu.iota {dimensions = array<i32: 0>} : vector<16xi32>
      %add3A_315 = arith.constant 96 : i32
      %add3A_316 = vector.broadcast %add3A_315 : i32 to vector<16xi32>
      %add3A_317 = arith.addi %iota3A_314, %add3A_316 : vector<16xi32>
      %gt3A_318 = arith.cmpi sgt, %bitcast3A_313, %scan3A_6 : vector<16xi32>
      %eq3A_319 = arith.cmpi eq, %bitcast3A_313, %scan3A_6 : vector<16xi32>
      %ge3A_320 = arith.cmpi sge, %add3A_317, %scan3A_160 : vector<16xi32>
      %and3A_321 = arith.andi %eq3A_319, %ge3A_320 : vector<16xi1>
      %or3A_322 = arith.ori %gt3A_318, %and3A_321 : vector<16xi1>
      %get3A_323 = arith.constant 96 : index
      %get3A_324 = tpu.vector_load %arg9[%get3A_323] {strides = array<i32>} : memref<384xf32, #tpu.memory_space<vmem>>, vector<16xf32>,
      %jit3A_325 = arith.constant 1.000000e+00 : f32
      %broadcast_in_dim3A_326 = vector.broadcast %jit3A_325 : f32 to vector<16xf32>
      %select_n3A_327 = arith.select %or3A_322, %get3A_324, %broadcast_in_dim3A_326 : vector<16xi1>, vector<16xf32>
      %swap3A_328 = arith.constant 96 : index
      %swap3A_329 = tpu.vector_load %arg10[%swap3A_328] {strides = array<i32>} : memref<384xf32, #tpu.memory_space<vmem>>, vector<16xf32>,
      tpu.vector_store %arg10[%swap3A_328], %select_n3A_327 {strides = array<i32>} : memref<384xf32, #tpu.memory_space<vmem>>, vector<16xf32>,
      %get3A_330 = arith.constant 96 : index
      %get3A_331 = tpu.vector_load %arg8[%get3A_330] {strides = array<i32>} : memref<384xi32, #tpu.memory_space<vmem>>, vector<16xi32>,
      %jit3A_332 = arith.constant 280 : i32
      %broadcast_in_dim3A_333 = vector.broadcast %jit3A_332 : i32 to vector<16xi32>
      %select_n3A_334 = arith.select %or3A_322, %get3A_331, %broadcast_in_dim3A_333 : vector<16xi1>, vector<16xi32>
      %swap3A_335 = arith.constant 96 : index
      %swap3A_336 = tpu.vector_load %arg11[%swap3A_335] {strides = array<i32>} : memref<384xi32, #tpu.memory_space<vmem>>, vector<16xi32>,
      tpu.vector_store %arg11[%swap3A_335], %select_n3A_334 {strides = array<i32>} : memref<384xi32, #tpu.memory_space<vmem>>, vector<16xi32>,
      %get3A_337 = arith.constant 112 : index
      %get3A_338 = tpu.vector_load %arg7[%get3A_337] {strides = array<i32>} : memref<384xf32, #tpu.memory_space<vmem>>, vector<16xf32>,
      %bitcast3A_339 = vector.bitcast %get3A_338 : vector<16xf32> to vector<16xi32>
      %iota3A_340 = tpu.iota {dimensions = array<i32: 0>} : vector<16xi32>
      %add3A_341 = arith.constant 112 : i32
      %add3A_342 = vector.broadcast %add3A_341 : i32 to vector<16xi32>
      %add3A_343 = arith.addi %iota3A_340, %add3A_342 : vector<16xi32>
      %gt3A_344 = arith.cmpi sgt, %bitcast3A_339, %scan3A_6 : vector<16xi32>
      %eq3A_345 = arith.cmpi eq, %bitcast3A_339, %scan3A_6 : vector<16xi32>
      %ge3A_346 = arith.cmpi sge, %add3A_343, %scan3A_160 : vector<16xi32>
      %and3A_347 = arith.andi %eq3A_345, %ge3A_346 : vector<16xi1>
      %or3A_348 = arith.ori %gt3A_344, %and3A_347 : vector<16xi1>
      %get3A_349 = arith.constant 112 : index
      %get3A_350 = tpu.vector_load %arg9[%get3A_349] {strides = array<i32>} : memref<384xf32, #tpu.memory_space<vmem>>, vector<16xf32>,
      %jit3A_351 = arith.constant 1.000000e+00 : f32
      %broadcast_in_dim3A_352 = vector.broadcast %jit3A_351 : f32 to vector<16xf32>
      %select_n3A_353 = arith.select %or3A_348, %get3A_350, %broadcast_in_dim3A_352 : vector<16xi1>, vector<16xf32>
      %swap3A_354 = arith.constant 112 : index
      %swap3A_355 = tpu.vector_load %arg10[%swap3A_354] {strides = array<i32>} : memref<384xf32, #tpu.memory_space<vmem>>, vector<16xf32>,
      tpu.vector_store %arg10[%swap3A_354], %select_n3A_353 {strides = array<i32>} : memref<384xf32, #tpu.memory_space<vmem>>, vector<16xf32>,
      %get3A_356 = arith.constant 112 : index
      %get3A_357 = tpu.vector_load %arg8[%get3A_356] {strides = array<i32>} : memref<384xi32, #tpu.memory_space<vmem>>, vector<16xi32>,
      %jit3A_358 = arith.constant 280 : i32
      %broadcast_in_dim3A_359 = vector.broadcast %jit3A_358 : i32 to vector<16xi32>
      %select_n3A_360 = arith.select %or3A_348, %get3A_357, %broadcast_in_dim3A_359 : vector<16xi1>, vector<16xi32>
      %swap3A_361 = arith.constant 112 : index
      %swap3A_362 = tpu.vector_load %arg11[%swap3A_361] {strides = array<i32>} : memref<384xi32, #tpu.memory_space<vmem>>, vector<16xi32>,
      tpu.vector_store %arg11[%swap3A_361], %select_n3A_360 {strides = array<i32>} : memref<384xi32, #tpu.memory_space<vmem>>, vector<16xi32>,
      %get3A_363 = arith.constant 128 : index
      %get3A_364 = tpu.vector_load %arg7[%get3A_363] {strides = array<i32>} : memref<384xf32, #tpu.memory_space<vmem>>, vector<16xf32>,
      %bitcast3A_365 = vector.bitcast %get3A_364 : vector<16xf32> to vector<16xi32>
      %iota3A_366 = tpu.iota {dimensions = array<i32: 0>} : vector<16xi32>
      %add3A_367 = arith.constant 128 : i32
      %add3A_368 = vector.broadcast %add3A_367 : i32 to vector<16xi32>
      %add3A_369 = arith.addi %iota3A_366, %add3A_368 : vector<16xi32>
      %gt3A_370 = arith.cmpi sgt, %bitcast3A_365, %scan3A_6 : vector<16xi32>
      %eq3A_371 = arith.cmpi eq, %bitcast3A_365, %scan3A_6 : vector<16xi32>
      %ge3A_372 = arith.cmpi sge, %add3A_369, %scan3A_160 : vector<16xi32>
      %and3A_373 = arith.andi %eq3A_371, %ge3A_372 : vector<16xi1>
      %or3A_374 = arith.ori %gt3A_370, %and3A_373 : vector<16xi1>
      %get3A_375 = arith.constant 128 : index
      %get3A_376 = tpu.vector_load %arg9[%get3A_375] {strides = array<i32>} : memref<384xf32, #tpu.memory_space<vmem>>, vector<16xf32>,
      %jit3A_377 = arith.constant 1.000000e+00 : f32
      %broadcast_in_dim3A_378 = vector.broadcast %jit3A_377 : f32 to vector<16xf32>
      %select_n3A_379 = arith.select %or3A_374, %get3A_376, %broadcast_in_dim3A_378 : vector<16xi1>, vector<16xf32>
      %swap3A_380 = arith.constant 128 : index
      %swap3A_381 = tpu.vector_load %arg10[%swap3A_380] {strides = array<i32>} : memref<384xf32, #tpu.memory_space<vmem>>, vector<16xf32>,
      tpu.vector_store %arg10[%swap3A_380], %select_n3A_379 {strides = array<i32>} : memref<384xf32, #tpu.memory_space<vmem>>, vector<16xf32>,
      %get3A_382 = arith.constant 128 : index
      %get3A_383 = tpu.vector_load %arg8[%get3A_382] {strides = array<i32>} : memref<384xi32, #tpu.memory_space<vmem>>, vector<16xi32>,
      %jit3A_384 = arith.constant 280 : i32
      %broadcast_in_dim3A_385 = vector.broadcast %jit3A_384 : i32 to vector<16xi32>
      %select_n3A_386 = arith.select %or3A_374, %get3A_383, %broadcast_in_dim3A_385 : vector<16xi1>, vector<16xi32>
      %swap3A_387 = arith.constant 128 : index
      %swap3A_388 = tpu.vector_load %arg11[%swap3A_387] {strides = array<i32>} : memref<384xi32, #tpu.memory_space<vmem>>, vector<16xi32>,
      tpu.vector_store %arg11[%swap3A_387], %select_n3A_386 {strides = array<i32>} : memref<384xi32, #tpu.memory_space<vmem>>, vector<16xi32>,
      %get3A_389 = arith.constant 144 : index
      %get3A_390 = tpu.vector_load %arg7[%get3A_389] {strides = array<i32>} : memref<384xf32, #tpu.memory_space<vmem>>, vector<16xf32>,
      %bitcast3A_391 = vector.bitcast %get3A_390 : vector<16xf32> to vector<16xi32>
      %iota3A_392 = tpu.iota {dimensions = array<i32: 0>} : vector<16xi32>
      %add3A_393 = arith.constant 144 : i32
      %add3A_394 = vector.broadcast %add3A_393 : i32 to vector<16xi32>
      %add3A_395 = arith.addi %iota3A_392, %add3A_394 : vector<16xi32>
      %gt3A_396 = arith.cmpi sgt, %bitcast3A_391, %scan3A_6 : vector<16xi32>
      %eq3A_397 = arith.cmpi eq, %bitcast3A_391, %scan3A_6 : vector<16xi32>
      %ge3A_398 = arith.cmpi sge, %add3A_395, %scan3A_160 : vector<16xi32>
      %and3A_399 = arith.andi %eq3A_397, %ge3A_398 : vector<16xi1>
      %or3A_400 = arith.ori %gt3A_396, %and3A_399 : vector<16xi1>
      %get3A_401 = arith.constant 144 : index
      %get3A_402 = tpu.vector_load %arg9[%get3A_401] {strides = array<i32>} : memref<384xf32, #tpu.memory_space<vmem>>, vector<16xf32>,
      %jit3A_403 = arith.constant 1.000000e+00 : f32
      %broadcast_in_dim3A_404 = vector.broadcast %jit3A_403 : f32 to vector<16xf32>
      %select_n3A_405 = arith.select %or3A_400, %get3A_402, %broadcast_in_dim3A_404 : vector<16xi1>, vector<16xf32>
      %swap3A_406 = arith.constant 144 : index
      %swap3A_407 = tpu.vector_load %arg10[%swap3A_406] {strides = array<i32>} : memref<384xf32, #tpu.memory_space<vmem>>, vector<16xf32>,
      tpu.vector_store %arg10[%swap3A_406], %select_n3A_405 {strides = array<i32>} : memref<384xf32, #tpu.memory_space<vmem>>, vector<16xf32>,
      %get3A_408 = arith.constant 144 : index
      %get3A_409 = tpu.vector_load %arg8[%get3A_408] {strides = array<i32>} : memref<384xi32, #tpu.memory_space<vmem>>, vector<16xi32>,
      %jit3A_410 = arith.constant 280 : i32
      %broadcast_in_dim3A_411 = vector.broadcast %jit3A_410 : i32 to vector<16xi32>
      %select_n3A_412 = arith.select %or3A_400, %get3A_409, %broadcast_in_dim3A_411 : vector<16xi1>, vector<16xi32>
      %swap3A_413 = arith.constant 144 : index
      %swap3A_414 = tpu.vector_load %arg11[%swap3A_413] {strides = array<i32>} : memref<384xi32, #tpu.memory_space<vmem>>, vector<16xi32>,
      tpu.vector_store %arg11[%swap3A_413], %select_n3A_412 {strides = array<i32>} : memref<384xi32, #tpu.memory_space<vmem>>, vector<16xi32>,
      %get3A_415 = arith.constant 160 : index
      %get3A_416 = tpu.vector_load %arg7[%get3A_415] {strides = array<i32>} : memref<384xf32, #tpu.memory_space<vmem>>, vector<16xf32>,
      %bitcast3A_417 = vector.bitcast %get3A_416 : vector<16xf32> to vector<16xi32>
      %iota3A_418 = tpu.iota {dimensions = array<i32: 0>} : vector<16xi32>
      %add3A_419 = arith.constant 160 : i32
      %add3A_420 = vector.broadcast %add3A_419 : i32 to vector<16xi32>
      %add3A_421 = arith.addi %iota3A_418, %add3A_420 : vector<16xi32>
      %gt3A_422 = arith.cmpi sgt, %bitcast3A_417, %scan3A_6 : vector<16xi32>
      %eq3A_423 = arith.cmpi eq, %bitcast3A_417, %scan3A_6 : vector<16xi32>
      %ge3A_424 = arith.cmpi sge, %add3A_421, %scan3A_160 : vector<16xi32>
      %and3A_425 = arith.andi %eq3A_423, %ge3A_424 : vector<16xi1>
      %or3A_426 = arith.ori %gt3A_422, %and3A_425 : vector<16xi1>
      %get3A_427 = arith.constant 160 : index
      %get3A_428 = tpu.vector_load %arg9[%get3A_427] {strides = array<i32>} : memref<384xf32, #tpu.memory_space<vmem>>, vector<16xf32>,
      %jit3A_429 = arith.constant 1.000000e+00 : f32
      %broadcast_in_dim3A_430 = vector.broadcast %jit3A_429 : f32 to vector<16xf32>
      %select_n3A_431 = arith.select %or3A_426, %get3A_428, %broadcast_in_dim3A_430 : vector<16xi1>, vector<16xf32>
      %swap3A_432 = arith.constant 160 : index
      %swap3A_433 = tpu.vector_load %arg10[%swap3A_432] {strides = array<i32>} : memref<384xf32, #tpu.memory_space<vmem>>, vector<16xf32>,
      tpu.vector_store %arg10[%swap3A_432], %select_n3A_431 {strides = array<i32>} : memref<384xf32, #tpu.memory_space<vmem>>, vector<16xf32>,
      %get3A_434 = arith.constant 160 : index
      %get3A_435 = tpu.vector_load %arg8[%get3A_434] {strides = array<i32>} : memref<384xi32, #tpu.memory_space<vmem>>, vector<16xi32>,
      %jit3A_436 = arith.constant 280 : i32
      %broadcast_in_dim3A_437 = vector.broadcast %jit3A_436 : i32 to vector<16xi32>
      %select_n3A_438 = arith.select %or3A_426, %get3A_435, %broadcast_in_dim3A_437 : vector<16xi1>, vector<16xi32>
      %swap3A_439 = arith.constant 160 : index
      %swap3A_440 = tpu.vector_load %arg11[%swap3A_439] {strides = array<i32>} : memref<384xi32, #tpu.memory_space<vmem>>, vector<16xi32>,
      tpu.vector_store %arg11[%swap3A_439], %select_n3A_438 {strides = array<i32>} : memref<384xi32, #tpu.memory_space<vmem>>, vector<16xi32>,
      %get3A_441 = arith.constant 176 : index
      %get3A_442 = tpu.vector_load %arg7[%get3A_441] {strides = array<i32>} : memref<384xf32, #tpu.memory_space<vmem>>, vector<16xf32>,
      %bitcast3A_443 = vector.bitcast %get3A_442 : vector<16xf32> to vector<16xi32>
      %iota3A_444 = tpu.iota {dimensions = array<i32: 0>} : vector<16xi32>
      %add3A_445 = arith.constant 176 : i32
      %add3A_446 = vector.broadcast %add3A_445 : i32 to vector<16xi32>
      %add3A_447 = arith.addi %iota3A_444, %add3A_446 : vector<16xi32>
      %gt3A_448 = arith.cmpi sgt, %bitcast3A_443, %scan3A_6 : vector<16xi32>
      %eq3A_449 = arith.cmpi eq, %bitcast3A_443, %scan3A_6 : vector<16xi32>
      %ge3A_450 = arith.cmpi sge, %add3A_447, %scan3A_160 : vector<16xi32>
      %and3A_451 = arith.andi %eq3A_449, %ge3A_450 : vector<16xi1>
      %or3A_452 = arith.ori %gt3A_448, %and3A_451 : vector<16xi1>
      %get3A_453 = arith.constant 176 : index
      %get3A_454 = tpu.vector_load %arg9[%get3A_453] {strides = array<i32>} : memref<384xf32, #tpu.memory_space<vmem>>, vector<16xf32>,
      %jit3A_455 = arith.constant 1.000000e+00 : f32
      %broadcast_in_dim3A_456 = vector.broadcast %jit3A_455 : f32 to vector<16xf32>
      %select_n3A_457 = arith.select %or3A_452, %get3A_454, %broadcast_in_dim3A_456 : vector<16xi1>, vector<16xf32>
      %swap3A_458 = arith.constant 176 : index
      %swap3A_459 = tpu.vector_load %arg10[%swap3A_458] {strides = array<i32>} : memref<384xf32, #tpu.memory_space<vmem>>, vector<16xf32>,
      tpu.vector_store %arg10[%swap3A_458], %select_n3A_457 {strides = array<i32>} : memref<384xf32, #tpu.memory_space<vmem>>, vector<16xf32>,
      %get3A_460 = arith.constant 176 : index
      %get3A_461 = tpu.vector_load %arg8[%get3A_460] {strides = array<i32>} : memref<384xi32, #tpu.memory_space<vmem>>, vector<16xi32>,
      %jit3A_462 = arith.constant 280 : i32
      %broadcast_in_dim3A_463 = vector.broadcast %jit3A_462 : i32 to vector<16xi32>
      %select_n3A_464 = arith.select %or3A_452, %get3A_461, %broadcast_in_dim3A_463 : vector<16xi1>, vector<16xi32>
      %swap3A_465 = arith.constant 176 : index
      %swap3A_466 = tpu.vector_load %arg11[%swap3A_465] {strides = array<i32>} : memref<384xi32, #tpu.memory_space<vmem>>, vector<16xi32>,
      tpu.vector_store %arg11[%swap3A_465], %select_n3A_464 {strides = array<i32>} : memref<384xi32, #tpu.memory_space<vmem>>, vector<16xi32>,
      %get3A_467 = arith.constant 192 : index
      %get3A_468 = tpu.vector_load %arg7[%get3A_467] {strides = array<i32>} : memref<384xf32, #tpu.memory_space<vmem>>, vector<16xf32>,
      %bitcast3A_469 = vector.bitcast %get3A_468 : vector<16xf32> to vector<16xi32>
      %iota3A_470 = tpu.iota {dimensions = array<i32: 0>} : vector<16xi32>
      %add3A_471 = arith.constant 192 : i32
      %add3A_472 = vector.broadcast %add3A_471 : i32 to vector<16xi32>
      %add3A_473 = arith.addi %iota3A_470, %add3A_472 : vector<16xi32>
      %gt3A_474 = arith.cmpi sgt, %bitcast3A_469, %scan3A_6 : vector<16xi32>
      %eq3A_475 = arith.cmpi eq, %bitcast3A_469, %scan3A_6 : vector<16xi32>
      %ge3A_476 = arith.cmpi sge, %add3A_473, %scan3A_160 : vector<16xi32>
      %and3A_477 = arith.andi %eq3A_475, %ge3A_476 : vector<16xi1>
      %or3A_478 = arith.ori %gt3A_474, %and3A_477 : vector<16xi1>
      %get3A_479 = arith.constant 192 : index
      %get3A_480 = tpu.vector_load %arg9[%get3A_479] {strides = array<i32>} : memref<384xf32, #tpu.memory_space<vmem>>, vector<16xf32>,
      %jit3A_481 = arith.constant 1.000000e+00 : f32
      %broadcast_in_dim3A_482 = vector.broadcast %jit3A_481 : f32 to vector<16xf32>
      %select_n3A_483 = arith.select %or3A_478, %get3A_480, %broadcast_in_dim3A_482 : vector<16xi1>, vector<16xf32>
      %swap3A_484 = arith.constant 192 : index
      %swap3A_485 = tpu.vector_load %arg10[%swap3A_484] {strides = array<i32>} : memref<384xf32, #tpu.memory_space<vmem>>, vector<16xf32>,
      tpu.vector_store %arg10[%swap3A_484], %select_n3A_483 {strides = array<i32>} : memref<384xf32, #tpu.memory_space<vmem>>, vector<16xf32>,
      %get3A_486 = arith.constant 192 : index
      %get3A_487 = tpu.vector_load %arg8[%get3A_486] {strides = array<i32>} : memref<384xi32, #tpu.memory_space<vmem>>, vector<16xi32>,
      %jit3A_488 = arith.constant 280 : i32
      %broadcast_in_dim3A_489 = vector.broadcast %jit3A_488 : i32 to vector<16xi32>
      %select_n3A_490 = arith.select %or3A_478, %get3A_487, %broadcast_in_dim3A_489 : vector<16xi1>, vector<16xi32>
      %swap3A_491 = arith.constant 192 : index
      %swap3A_492 = tpu.vector_load %arg11[%swap3A_491] {strides = array<i32>} : memref<384xi32, #tpu.memory_space<vmem>>, vector<16xi32>,
      tpu.vector_store %arg11[%swap3A_491], %select_n3A_490 {strides = array<i32>} : memref<384xi32, #tpu.memory_space<vmem>>, vector<16xi32>,
      %get3A_493 = arith.constant 208 : index
      %get3A_494 = tpu.vector_load %arg7[%get3A_493] {strides = array<i32>} : memref<384xf32, #tpu.memory_space<vmem>>, vector<16xf32>,
      %bitcast3A_495 = vector.bitcast %get3A_494 : vector<16xf32> to vector<16xi32>
      %iota3A_496 = tpu.iota {dimensions = array<i32: 0>} : vector<16xi32>
      %add3A_497 = arith.constant 208 : i32
      %add3A_498 = vector.broadcast %add3A_497 : i32 to vector<16xi32>
      %add3A_499 = arith.addi %iota3A_496, %add3A_498 : vector<16xi32>
      %gt3A_500 = arith.cmpi sgt, %bitcast3A_495, %scan3A_6 : vector<16xi32>
      %eq3A_501 = arith.cmpi eq, %bitcast3A_495, %scan3A_6 : vector<16xi32>
      %ge3A_502 = arith.cmpi sge, %add3A_499, %scan3A_160 : vector<16xi32>
      %and3A_503 = arith.andi %eq3A_501, %ge3A_502 : vector<16xi1>
      %or3A_504 = arith.ori %gt3A_500, %and3A_503 : vector<16xi1>
      %get3A_505 = arith.constant 208 : index
      %get3A_506 = tpu.vector_load %arg9[%get3A_505] {strides = array<i32>} : memref<384xf32, #tpu.memory_space<vmem>>, vector<16xf32>,
      %jit3A_507 = arith.constant 1.000000e+00 : f32
      %broadcast_in_dim3A_508 = vector.broadcast %jit3A_507 : f32 to vector<16xf32>
      %select_n3A_509 = arith.select %or3A_504, %get3A_506, %broadcast_in_dim3A_508 : vector<16xi1>, vector<16xf32>
      %swap3A_510 = arith.constant 208 : index
      %swap3A_511 = tpu.vector_load %arg10[%swap3A_510] {strides = array<i32>} : memref<384xf32, #tpu.memory_space<vmem>>, vector<16xf32>,
      tpu.vector_store %arg10[%swap3A_510], %select_n3A_509 {strides = array<i32>} : memref<384xf32, #tpu.memory_space<vmem>>, vector<16xf32>,
      %get3A_512 = arith.constant 208 : index
      %get3A_513 = tpu.vector_load %arg8[%get3A_512] {strides = array<i32>} : memref<384xi32, #tpu.memory_space<vmem>>, vector<16xi32>,
      %jit3A_514 = arith.constant 280 : i32
      %broadcast_in_dim3A_515 = vector.broadcast %jit3A_514 : i32 to vector<16xi32>
      %select_n3A_516 = arith.select %or3A_504, %get3A_513, %broadcast_in_dim3A_515 : vector<16xi1>, vector<16xi32>
      %swap3A_517 = arith.constant 208 : index
      %swap3A_518 = tpu.vector_load %arg11[%swap3A_517] {strides = array<i32>} : memref<384xi32, #tpu.memory_space<vmem>>, vector<16xi32>,
      tpu.vector_store %arg11[%swap3A_517], %select_n3A_516 {strides = array<i32>} : memref<384xi32, #tpu.memory_space<vmem>>, vector<16xi32>,
      %get3A_519 = arith.constant 224 : index
      %get3A_520 = tpu.vector_load %arg7[%get3A_519] {strides = array<i32>} : memref<384xf32, #tpu.memory_space<vmem>>, vector<16xf32>,
      %bitcast3A_521 = vector.bitcast %get3A_520 : vector<16xf32> to vector<16xi32>
      %iota3A_522 = tpu.iota {dimensions = array<i32: 0>} : vector<16xi32>
      %add3A_523 = arith.constant 224 : i32
      %add3A_524 = vector.broadcast %add3A_523 : i32 to vector<16xi32>
      %add3A_525 = arith.addi %iota3A_522, %add3A_524 : vector<16xi32>
      %gt3A_526 = arith.cmpi sgt, %bitcast3A_521, %scan3A_6 : vector<16xi32>
      %eq3A_527 = arith.cmpi eq, %bitcast3A_521, %scan3A_6 : vector<16xi32>
      %ge3A_528 = arith.cmpi sge, %add3A_525, %scan3A_160 : vector<16xi32>
      %and3A_529 = arith.andi %eq3A_527, %ge3A_528 : vector<16xi1>
      %or3A_530 = arith.ori %gt3A_526, %and3A_529 : vector<16xi1>
      %get3A_531 = arith.constant 224 : index
      %get3A_532 = tpu.vector_load %arg9[%get3A_531] {strides = array<i32>} : memref<384xf32, #tpu.memory_space<vmem>>, vector<16xf32>,
      %jit3A_533 = arith.constant 1.000000e+00 : f32
      %broadcast_in_dim3A_534 = vector.broadcast %jit3A_533 : f32 to vector<16xf32>
      %select_n3A_535 = arith.select %or3A_530, %get3A_532, %broadcast_in_dim3A_534 : vector<16xi1>, vector<16xf32>
      %swap3A_536 = arith.constant 224 : index
      %swap3A_537 = tpu.vector_load %arg10[%swap3A_536] {strides = array<i32>} : memref<384xf32, #tpu.memory_space<vmem>>, vector<16xf32>,
      tpu.vector_store %arg10[%swap3A_536], %select_n3A_535 {strides = array<i32>} : memref<384xf32, #tpu.memory_space<vmem>>, vector<16xf32>,
      %get3A_538 = arith.constant 224 : index
      %get3A_539 = tpu.vector_load %arg8[%get3A_538] {strides = array<i32>} : memref<384xi32, #tpu.memory_space<vmem>>, vector<16xi32>,
      %jit3A_540 = arith.constant 280 : i32
      %broadcast_in_dim3A_541 = vector.broadcast %jit3A_540 : i32 to vector<16xi32>
      %select_n3A_542 = arith.select %or3A_530, %get3A_539, %broadcast_in_dim3A_541 : vector<16xi1>, vector<16xi32>
      %swap3A_543 = arith.constant 224 : index
      %swap3A_544 = tpu.vector_load %arg11[%swap3A_543] {strides = array<i32>} : memref<384xi32, #tpu.memory_space<vmem>>, vector<16xi32>,
      tpu.vector_store %arg11[%swap3A_543], %select_n3A_542 {strides = array<i32>} : memref<384xi32, #tpu.memory_space<vmem>>, vector<16xi32>,
      %get3A_545 = arith.constant 240 : index
      %get3A_546 = tpu.vector_load %arg7[%get3A_545] {strides = array<i32>} : memref<384xf32, #tpu.memory_space<vmem>>, vector<16xf32>,
      %bitcast3A_547 = vector.bitcast %get3A_546 : vector<16xf32> to vector<16xi32>
      %iota3A_548 = tpu.iota {dimensions = array<i32: 0>} : vector<16xi32>
      %add3A_549 = arith.constant 240 : i32
      %add3A_550 = vector.broadcast %add3A_549 : i32 to vector<16xi32>
      %add3A_551 = arith.addi %iota3A_548, %add3A_550 : vector<16xi32>
      %gt3A_552 = arith.cmpi sgt, %bitcast3A_547, %scan3A_6 : vector<16xi32>
      %eq3A_553 = arith.cmpi eq, %bitcast3A_547, %scan3A_6 : vector<16xi32>
      %ge3A_554 = arith.cmpi sge, %add3A_551, %scan3A_160 : vector<16xi32>
      %and3A_555 = arith.andi %eq3A_553, %ge3A_554 : vector<16xi1>
      %or3A_556 = arith.ori %gt3A_552, %and3A_555 : vector<16xi1>
      %get3A_557 = arith.constant 240 : index
      %get3A_558 = tpu.vector_load %arg9[%get3A_557] {strides = array<i32>} : memref<384xf32, #tpu.memory_space<vmem>>, vector<16xf32>,
      %jit3A_559 = arith.constant 1.000000e+00 : f32
      %broadcast_in_dim3A_560 = vector.broadcast %jit3A_559 : f32 to vector<16xf32>
      %select_n3A_561 = arith.select %or3A_556, %get3A_558, %broadcast_in_dim3A_560 : vector<16xi1>, vector<16xf32>
      %swap3A_562 = arith.constant 240 : index
      %swap3A_563 = tpu.vector_load %arg10[%swap3A_562] {strides = array<i32>} : memref<384xf32, #tpu.memory_space<vmem>>, vector<16xf32>,
      tpu.vector_store %arg10[%swap3A_562], %select_n3A_561 {strides = array<i32>} : memref<384xf32, #tpu.memory_space<vmem>>, vector<16xf32>,
      %get3A_564 = arith.constant 240 : index
      %get3A_565 = tpu.vector_load %arg8[%get3A_564] {strides = array<i32>} : memref<384xi32, #tpu.memory_space<vmem>>, vector<16xi32>,
      %jit3A_566 = arith.constant 280 : i32
      %broadcast_in_dim3A_567 = vector.broadcast %jit3A_566 : i32 to vector<16xi32>
      %select_n3A_568 = arith.select %or3A_556, %get3A_565, %broadcast_in_dim3A_567 : vector<16xi1>, vector<16xi32>
      %swap3A_569 = arith.constant 240 : index
      %swap3A_570 = tpu.vector_load %arg11[%swap3A_569] {strides = array<i32>} : memref<384xi32, #tpu.memory_space<vmem>>, vector<16xi32>,
      tpu.vector_store %arg11[%swap3A_569], %select_n3A_568 {strides = array<i32>} : memref<384xi32, #tpu.memory_space<vmem>>, vector<16xi32>,
      %get3A_571 = arith.constant 256 : index
      %get3A_572 = tpu.vector_load %arg7[%get3A_571] {strides = array<i32>} : memref<384xf32, #tpu.memory_space<vmem>>, vector<16xf32>,
      %bitcast3A_573 = vector.bitcast %get3A_572 : vector<16xf32> to vector<16xi32>
      %iota3A_574 = tpu.iota {dimensions = array<i32: 0>} : vector<16xi32>
      %add3A_575 = arith.constant 256 : i32
      %add3A_576 = vector.broadcast %add3A_575 : i32 to vector<16xi32>
      %add3A_577 = arith.addi %iota3A_574, %add3A_576 : vector<16xi32>
      %gt3A_578 = arith.cmpi sgt, %bitcast3A_573, %scan3A_6 : vector<16xi32>
      %eq3A_579 = arith.cmpi eq, %bitcast3A_573, %scan3A_6 : vector<16xi32>
      %ge3A_580 = arith.cmpi sge, %add3A_577, %scan3A_160 : vector<16xi32>
      %and3A_581 = arith.andi %eq3A_579, %ge3A_580 : vector<16xi1>
      %or3A_582 = arith.ori %gt3A_578, %and3A_581 : vector<16xi1>
      %get3A_583 = arith.constant 256 : index
      %get3A_584 = tpu.vector_load %arg9[%get3A_583] {strides = array<i32>} : memref<384xf32, #tpu.memory_space<vmem>>, vector<16xf32>,
      %jit3A_585 = arith.constant 1.000000e+00 : f32
      %broadcast_in_dim3A_586 = vector.broadcast %jit3A_585 : f32 to vector<16xf32>
      %select_n3A_587 = arith.select %or3A_582, %get3A_584, %broadcast_in_dim3A_586 : vector<16xi1>, vector<16xf32>
      %swap3A_588 = arith.constant 256 : index
      %swap3A_589 = tpu.vector_load %arg10[%swap3A_588] {strides = array<i32>} : memref<384xf32, #tpu.memory_space<vmem>>, vector<16xf32>,
      tpu.vector_store %arg10[%swap3A_588], %select_n3A_587 {strides = array<i32>} : memref<384xf32, #tpu.memory_space<vmem>>, vector<16xf32>,
      %get3A_590 = arith.constant 256 : index
      %get3A_591 = tpu.vector_load %arg8[%get3A_590] {strides = array<i32>} : memref<384xi32, #tpu.memory_space<vmem>>, vector<16xi32>,
      %jit3A_592 = arith.constant 280 : i32
      %broadcast_in_dim3A_593 = vector.broadcast %jit3A_592 : i32 to vector<16xi32>
      %select_n3A_594 = arith.select %or3A_582, %get3A_591, %broadcast_in_dim3A_593 : vector<16xi1>, vector<16xi32>
      %swap3A_595 = arith.constant 256 : index
      %swap3A_596 = tpu.vector_load %arg11[%swap3A_595] {strides = array<i32>} : memref<384xi32, #tpu.memory_space<vmem>>, vector<16xi32>,
      tpu.vector_store %arg11[%swap3A_595], %select_n3A_594 {strides = array<i32>} : memref<384xi32, #tpu.memory_space<vmem>>, vector<16xi32>,
      %get3A_597 = arith.constant 272 : index
      %get3A_598 = tpu.vector_load %arg7[%get3A_597] {strides = array<i32>} : memref<384xf32, #tpu.memory_space<vmem>>, vector<16xf32>,
      %bitcast3A_599 = vector.bitcast %get3A_598 : vector<16xf32> to vector<16xi32>
      %iota3A_600 = tpu.iota {dimensions = array<i32: 0>} : vector<16xi32>
      %add3A_601 = arith.constant 272 : i32
      %add3A_602 = vector.broadcast %add3A_601 : i32 to vector<16xi32>
      %add3A_603 = arith.addi %iota3A_600, %add3A_602 : vector<16xi32>
      %gt3A_604 = arith.cmpi sgt, %bitcast3A_599, %scan3A_6 : vector<16xi32>
      %eq3A_605 = arith.cmpi eq, %bitcast3A_599, %scan3A_6 : vector<16xi32>
      %ge3A_606 = arith.cmpi sge, %add3A_603, %scan3A_160 : vector<16xi32>
      %and3A_607 = arith.andi %eq3A_605, %ge3A_606 : vector<16xi1>
      %or3A_608 = arith.ori %gt3A_604, %and3A_607 : vector<16xi1>
      %get3A_609 = arith.constant 272 : index
      %get3A_610 = tpu.vector_load %arg9[%get3A_609] {strides = array<i32>} : memref<384xf32, #tpu.memory_space<vmem>>, vector<16xf32>,
      %jit3A_611 = arith.constant 1.000000e+00 : f32
      %broadcast_in_dim3A_612 = vector.broadcast %jit3A_611 : f32 to vector<16xf32>
      %select_n3A_613 = arith.select %or3A_608, %get3A_610, %broadcast_in_dim3A_612 : vector<16xi1>, vector<16xf32>
      %swap3A_614 = arith.constant 272 : index
      %swap3A_615 = tpu.vector_load %arg10[%swap3A_614] {strides = array<i32>} : memref<384xf32, #tpu.memory_space<vmem>>, vector<16xf32>,
      tpu.vector_store %arg10[%swap3A_614], %select_n3A_613 {strides = array<i32>} : memref<384xf32, #tpu.memory_space<vmem>>, vector<16xf32>,
      %get3A_616 = arith.constant 272 : index
      %get3A_617 = tpu.vector_load %arg8[%get3A_616] {strides = array<i32>} : memref<384xi32, #tpu.memory_space<vmem>>, vector<16xi32>,
      %jit3A_618 = arith.constant 280 : i32
      %broadcast_in_dim3A_619 = vector.broadcast %jit3A_618 : i32 to vector<16xi32>
      %select_n3A_620 = arith.select %or3A_608, %get3A_617, %broadcast_in_dim3A_619 : vector<16xi1>, vector<16xi32>
      %swap3A_621 = arith.constant 272 : index
      %swap3A_622 = tpu.vector_load %arg11[%swap3A_621] {strides = array<i32>} : memref<384xi32, #tpu.memory_space<vmem>>, vector<16xi32>,
      tpu.vector_store %arg11[%swap3A_621], %select_n3A_620 {strides = array<i32>} : memref<384xi32, #tpu.memory_space<vmem>>, vector<16xi32>,
      %get3A_623 = arith.constant 288 : index
      %get3A_624 = tpu.vector_load %arg7[%get3A_623] {strides = array<i32>} : memref<384xf32, #tpu.memory_space<vmem>>, vector<16xf32>,
      %bitcast3A_625 = vector.bitcast %get3A_624 : vector<16xf32> to vector<16xi32>
      %iota3A_626 = tpu.iota {dimensions = array<i32: 0>} : vector<16xi32>
      %add3A_627 = arith.constant 288 : i32
      %add3A_628 = vector.broadcast %add3A_627 : i32 to vector<16xi32>
      %add3A_629 = arith.addi %iota3A_626, %add3A_628 : vector<16xi32>
      %gt3A_630 = arith.cmpi sgt, %bitcast3A_625, %scan3A_6 : vector<16xi32>
      %eq3A_631 = arith.cmpi eq, %bitcast3A_625, %scan3A_6 : vector<16xi32>
      %ge3A_632 = arith.cmpi sge, %add3A_629, %scan3A_160 : vector<16xi32>
      %and3A_633 = arith.andi %eq3A_631, %ge3A_632 : vector<16xi1>
      %or3A_634 = arith.ori %gt3A_630, %and3A_633 : vector<16xi1>
      %get3A_635 = arith.constant 288 : index
      %get3A_636 = tpu.vector_load %arg9[%get3A_635] {strides = array<i32>} : memref<384xf32, #tpu.memory_space<vmem>>, vector<16xf32>,
      %jit3A_637 = arith.constant 1.000000e+00 : f32
      %broadcast_in_dim3A_638 = vector.broadcast %jit3A_637 : f32 to vector<16xf32>
      %select_n3A_639 = arith.select %or3A_634, %get3A_636, %broadcast_in_dim3A_638 : vector<16xi1>, vector<16xf32>
      %swap3A_640 = arith.constant 288 : index
      %swap3A_641 = tpu.vector_load %arg10[%swap3A_640] {strides = array<i32>} : memref<384xf32, #tpu.memory_space<vmem>>, vector<16xf32>,
      tpu.vector_store %arg10[%swap3A_640], %select_n3A_639 {strides = array<i32>} : memref<384xf32, #tpu.memory_space<vmem>>, vector<16xf32>,
      %get3A_642 = arith.constant 288 : index
      %get3A_643 = tpu.vector_load %arg8[%get3A_642] {strides = array<i32>} : memref<384xi32, #tpu.memory_space<vmem>>, vector<16xi32>,
      %jit3A_644 = arith.constant 280 : i32
      %broadcast_in_dim3A_645 = vector.broadcast %jit3A_644 : i32 to vector<16xi32>
      %select_n3A_646 = arith.select %or3A_634, %get3A_643, %broadcast_in_dim3A_645 : vector<16xi1>, vector<16xi32>
      %swap3A_647 = arith.constant 288 : index
      %swap3A_648 = tpu.vector_load %arg11[%swap3A_647] {strides = array<i32>} : memref<384xi32, #tpu.memory_space<vmem>>, vector<16xi32>,
      tpu.vector_store %arg11[%swap3A_647], %select_n3A_646 {strides = array<i32>} : memref<384xi32, #tpu.memory_space<vmem>>, vector<16xi32>,
      %get3A_649 = arith.constant 304 : index
      %get3A_650 = tpu.vector_load %arg7[%get3A_649] {strides = array<i32>} : memref<384xf32, #tpu.memory_space<vmem>>, vector<16xf32>,
      %bitcast3A_651 = vector.bitcast %get3A_650 : vector<16xf32> to vector<16xi32>
      %iota3A_652 = tpu.iota {dimensions = array<i32: 0>} : vector<16xi32>
      %add3A_653 = arith.constant 304 : i32
      %add3A_654 = vector.broadcast %add3A_653 : i32 to vector<16xi32>
      %add3A_655 = arith.addi %iota3A_652, %add3A_654 : vector<16xi32>
      %gt3A_656 = arith.cmpi sgt, %bitcast3A_651, %scan3A_6 : vector<16xi32>
      %eq3A_657 = arith.cmpi eq, %bitcast3A_651, %scan3A_6 : vector<16xi32>
      %ge3A_658 = arith.cmpi sge, %add3A_655, %scan3A_160 : vector<16xi32>
      %and3A_659 = arith.andi %eq3A_657, %ge3A_658 : vector<16xi1>
      %or3A_660 = arith.ori %gt3A_656, %and3A_659 : vector<16xi1>
      %get3A_661 = arith.constant 304 : index
      %get3A_662 = tpu.vector_load %arg9[%get3A_661] {strides = array<i32>} : memref<384xf32, #tpu.memory_space<vmem>>, vector<16xf32>,
      %jit3A_663 = arith.constant 1.000000e+00 : f32
      %broadcast_in_dim3A_664 = vector.broadcast %jit3A_663 : f32 to vector<16xf32>
      %select_n3A_665 = arith.select %or3A_660, %get3A_662, %broadcast_in_dim3A_664 : vector<16xi1>, vector<16xf32>
      %swap3A_666 = arith.constant 304 : index
      %swap3A_667 = tpu.vector_load %arg10[%swap3A_666] {strides = array<i32>} : memref<384xf32, #tpu.memory_space<vmem>>, vector<16xf32>,
      tpu.vector_store %arg10[%swap3A_666], %select_n3A_665 {strides = array<i32>} : memref<384xf32, #tpu.memory_space<vmem>>, vector<16xf32>,
      %get3A_668 = arith.constant 304 : index
      %get3A_669 = tpu.vector_load %arg8[%get3A_668] {strides = array<i32>} : memref<384xi32, #tpu.memory_space<vmem>>, vector<16xi32>,
      %jit3A_670 = arith.constant 280 : i32
      %broadcast_in_dim3A_671 = vector.broadcast %jit3A_670 : i32 to vector<16xi32>
      %select_n3A_672 = arith.select %or3A_660, %get3A_669, %broadcast_in_dim3A_671 : vector<16xi1>, vector<16xi32>
      %swap3A_673 = arith.constant 304 : index
      %swap3A_674 = tpu.vector_load %arg11[%swap3A_673] {strides = array<i32>} : memref<384xi32, #tpu.memory_space<vmem>>, vector<16xi32>,
      tpu.vector_store %arg11[%swap3A_673], %select_n3A_672 {strides = array<i32>} : memref<384xi32, #tpu.memory_space<vmem>>, vector<16xi32>,
      %get3A_675 = arith.constant 320 : index
      %get3A_676 = tpu.vector_load %arg7[%get3A_675] {strides = array<i32>} : memref<384xf32, #tpu.memory_space<vmem>>, vector<16xf32>,
      %bitcast3A_677 = vector.bitcast %get3A_676 : vector<16xf32> to vector<16xi32>
      %iota3A_678 = tpu.iota {dimensions = array<i32: 0>} : vector<16xi32>
      %add3A_679 = arith.constant 320 : i32
      %add3A_680 = vector.broadcast %add3A_679 : i32 to vector<16xi32>
      %add3A_681 = arith.addi %iota3A_678, %add3A_680 : vector<16xi32>
      %gt3A_682 = arith.cmpi sgt, %bitcast3A_677, %scan3A_6 : vector<16xi32>
      %eq3A_683 = arith.cmpi eq, %bitcast3A_677, %scan3A_6 : vector<16xi32>
      %ge3A_684 = arith.cmpi sge, %add3A_681, %scan3A_160 : vector<16xi32>
      %and3A_685 = arith.andi %eq3A_683, %ge3A_684 : vector<16xi1>
      %or3A_686 = arith.ori %gt3A_682, %and3A_685 : vector<16xi1>
      %get3A_687 = arith.constant 320 : index
      %get3A_688 = tpu.vector_load %arg9[%get3A_687] {strides = array<i32>} : memref<384xf32, #tpu.memory_space<vmem>>, vector<16xf32>,
      %jit3A_689 = arith.constant 1.000000e+00 : f32
      %broadcast_in_dim3A_690 = vector.broadcast %jit3A_689 : f32 to vector<16xf32>
      %select_n3A_691 = arith.select %or3A_686, %get3A_688, %broadcast_in_dim3A_690 : vector<16xi1>, vector<16xf32>
      %swap3A_692 = arith.constant 320 : index
      %swap3A_693 = tpu.vector_load %arg10[%swap3A_692] {strides = array<i32>} : memref<384xf32, #tpu.memory_space<vmem>>, vector<16xf32>,
      tpu.vector_store %arg10[%swap3A_692], %select_n3A_691 {strides = array<i32>} : memref<384xf32, #tpu.memory_space<vmem>>, vector<16xf32>,
      %get3A_694 = arith.constant 320 : index
      %get3A_695 = tpu.vector_load %arg8[%get3A_694] {strides = array<i32>} : memref<384xi32, #tpu.memory_space<vmem>>, vector<16xi32>,
      %jit3A_696 = arith.constant 280 : i32
      %broadcast_in_dim3A_697 = vector.broadcast %jit3A_696 : i32 to vector<16xi32>
      %select_n3A_698 = arith.select %or3A_686, %get3A_695, %broadcast_in_dim3A_697 : vector<16xi1>, vector<16xi32>
      %swap3A_699 = arith.constant 320 : index
      %swap3A_700 = tpu.vector_load %arg11[%swap3A_699] {strides = array<i32>} : memref<384xi32, #tpu.memory_space<vmem>>, vector<16xi32>,
      tpu.vector_store %arg11[%swap3A_699], %select_n3A_698 {strides = array<i32>} : memref<384xi32, #tpu.memory_space<vmem>>, vector<16xi32>,
      %get3A_701 = arith.constant 336 : index
      %get3A_702 = tpu.vector_load %arg7[%get3A_701] {strides = array<i32>} : memref<384xf32, #tpu.memory_space<vmem>>, vector<16xf32>,
      %bitcast3A_703 = vector.bitcast %get3A_702 : vector<16xf32> to vector<16xi32>
      %iota3A_704 = tpu.iota {dimensions = array<i32: 0>} : vector<16xi32>
      %add3A_705 = arith.constant 336 : i32
      %add3A_706 = vector.broadcast %add3A_705 : i32 to vector<16xi32>
      %add3A_707 = arith.addi %iota3A_704, %add3A_706 : vector<16xi32>
      %gt3A_708 = arith.cmpi sgt, %bitcast3A_703, %scan3A_6 : vector<16xi32>
      %eq3A_709 = arith.cmpi eq, %bitcast3A_703, %scan3A_6 : vector<16xi32>
      %ge3A_710 = arith.cmpi sge, %add3A_707, %scan3A_160 : vector<16xi32>
      %and3A_711 = arith.andi %eq3A_709, %ge3A_710 : vector<16xi1>
      %or3A_712 = arith.ori %gt3A_708, %and3A_711 : vector<16xi1>
      %get3A_713 = arith.constant 336 : index
      %get3A_714 = tpu.vector_load %arg9[%get3A_713] {strides = array<i32>} : memref<384xf32, #tpu.memory_space<vmem>>, vector<16xf32>,
      %jit3A_715 = arith.constant 1.000000e+00 : f32
      %broadcast_in_dim3A_716 = vector.broadcast %jit3A_715 : f32 to vector<16xf32>
      %select_n3A_717 = arith.select %or3A_712, %get3A_714, %broadcast_in_dim3A_716 : vector<16xi1>, vector<16xf32>
      %swap3A_718 = arith.constant 336 : index
      %swap3A_719 = tpu.vector_load %arg10[%swap3A_718] {strides = array<i32>} : memref<384xf32, #tpu.memory_space<vmem>>, vector<16xf32>,
      tpu.vector_store %arg10[%swap3A_718], %select_n3A_717 {strides = array<i32>} : memref<384xf32, #tpu.memory_space<vmem>>, vector<16xf32>,
      %get3A_720 = arith.constant 336 : index
      %get3A_721 = tpu.vector_load %arg8[%get3A_720] {strides = array<i32>} : memref<384xi32, #tpu.memory_space<vmem>>, vector<16xi32>,
      %jit3A_722 = arith.constant 280 : i32
      %broadcast_in_dim3A_723 = vector.broadcast %jit3A_722 : i32 to vector<16xi32>
      %select_n3A_724 = arith.select %or3A_712, %get3A_721, %broadcast_in_dim3A_723 : vector<16xi1>, vector<16xi32>
      %swap3A_725 = arith.constant 336 : index
      %swap3A_726 = tpu.vector_load %arg11[%swap3A_725] {strides = array<i32>} : memref<384xi32, #tpu.memory_space<vmem>>, vector<16xi32>,
      tpu.vector_store %arg11[%swap3A_725], %select_n3A_724 {strides = array<i32>} : memref<384xi32, #tpu.memory_space<vmem>>, vector<16xi32>,
      %get3A_727 = arith.constant 352 : index
      %get3A_728 = tpu.vector_load %arg7[%get3A_727] {strides = array<i32>} : memref<384xf32, #tpu.memory_space<vmem>>, vector<16xf32>,
      %bitcast3A_729 = vector.bitcast %get3A_728 : vector<16xf32> to vector<16xi32>
      %iota3A_730 = tpu.iota {dimensions = array<i32: 0>} : vector<16xi32>
      %add3A_731 = arith.constant 352 : i32
      %add3A_732 = vector.broadcast %add3A_731 : i32 to vector<16xi32>
      %add3A_733 = arith.addi %iota3A_730, %add3A_732 : vector<16xi32>
      %gt3A_734 = arith.cmpi sgt, %bitcast3A_729, %scan3A_6 : vector<16xi32>
      %eq3A_735 = arith.cmpi eq, %bitcast3A_729, %scan3A_6 : vector<16xi32>
      %ge3A_736 = arith.cmpi sge, %add3A_733, %scan3A_160 : vector<16xi32>
      %and3A_737 = arith.andi %eq3A_735, %ge3A_736 : vector<16xi1>
      %or3A_738 = arith.ori %gt3A_734, %and3A_737 : vector<16xi1>
      %get3A_739 = arith.constant 352 : index
      %get3A_740 = tpu.vector_load %arg9[%get3A_739] {strides = array<i32>} : memref<384xf32, #tpu.memory_space<vmem>>, vector<16xf32>,
      %jit3A_741 = arith.constant 1.000000e+00 : f32
      %broadcast_in_dim3A_742 = vector.broadcast %jit3A_741 : f32 to vector<16xf32>
      %select_n3A_743 = arith.select %or3A_738, %get3A_740, %broadcast_in_dim3A_742 : vector<16xi1>, vector<16xf32>
      %swap3A_744 = arith.constant 352 : index
      %swap3A_745 = tpu.vector_load %arg10[%swap3A_744] {strides = array<i32>} : memref<384xf32, #tpu.memory_space<vmem>>, vector<16xf32>,
      tpu.vector_store %arg10[%swap3A_744], %select_n3A_743 {strides = array<i32>} : memref<384xf32, #tpu.memory_space<vmem>>, vector<16xf32>,
      %get3A_746 = arith.constant 352 : index
      %get3A_747 = tpu.vector_load %arg8[%get3A_746] {strides = array<i32>} : memref<384xi32, #tpu.memory_space<vmem>>, vector<16xi32>,
      %jit3A_748 = arith.constant 280 : i32
      %broadcast_in_dim3A_749 = vector.broadcast %jit3A_748 : i32 to vector<16xi32>
      %select_n3A_750 = arith.select %or3A_738, %get3A_747, %broadcast_in_dim3A_749 : vector<16xi1>, vector<16xi32>
      %swap3A_751 = arith.constant 352 : index
      %swap3A_752 = tpu.vector_load %arg11[%swap3A_751] {strides = array<i32>} : memref<384xi32, #tpu.memory_space<vmem>>, vector<16xi32>,
      tpu.vector_store %arg11[%swap3A_751], %select_n3A_750 {strides = array<i32>} : memref<384xi32, #tpu.memory_space<vmem>>, vector<16xi32>,
      %get3A_753 = arith.constant 368 : index
      %get3A_754 = tpu.vector_load %arg7[%get3A_753] {strides = array<i32>} : memref<384xf32, #tpu.memory_space<vmem>>, vector<16xf32>,
      %bitcast3A_755 = vector.bitcast %get3A_754 : vector<16xf32> to vector<16xi32>
      %iota3A_756 = tpu.iota {dimensions = array<i32: 0>} : vector<16xi32>
      %add3A_757 = arith.constant 368 : i32
      %add3A_758 = vector.broadcast %add3A_757 : i32 to vector<16xi32>
      %add3A_759 = arith.addi %iota3A_756, %add3A_758 : vector<16xi32>
      %gt3A_760 = arith.cmpi sgt, %bitcast3A_755, %scan3A_6 : vector<16xi32>
      %eq3A_761 = arith.cmpi eq, %bitcast3A_755, %scan3A_6 : vector<16xi32>
      %ge3A_762 = arith.cmpi sge, %add3A_759, %scan3A_160 : vector<16xi32>
      %and3A_763 = arith.andi %eq3A_761, %ge3A_762 : vector<16xi1>
      %or3A_764 = arith.ori %gt3A_760, %and3A_763 : vector<16xi1>
      %get3A_765 = arith.constant 368 : index
      %get3A_766 = tpu.vector_load %arg9[%get3A_765] {strides = array<i32>} : memref<384xf32, #tpu.memory_space<vmem>>, vector<16xf32>,
      %jit3A_767 = arith.constant 1.000000e+00 : f32
      %broadcast_in_dim3A_768 = vector.broadcast %jit3A_767 : f32 to vector<16xf32>
      %select_n3A_769 = arith.select %or3A_764, %get3A_766, %broadcast_in_dim3A_768 : vector<16xi1>, vector<16xf32>
      %swap3A_770 = arith.constant 368 : index
      %swap3A_771 = tpu.vector_load %arg10[%swap3A_770] {strides = array<i32>} : memref<384xf32, #tpu.memory_space<vmem>>, vector<16xf32>,
      tpu.vector_store %arg10[%swap3A_770], %select_n3A_769 {strides = array<i32>} : memref<384xf32, #tpu.memory_space<vmem>>, vector<16xf32>,
      %get3A_772 = arith.constant 368 : index
      %get3A_773 = tpu.vector_load %arg8[%get3A_772] {strides = array<i32>} : memref<384xi32, #tpu.memory_space<vmem>>, vector<16xi32>,
      %jit3A_774 = arith.constant 280 : i32
      %broadcast_in_dim3A_775 = vector.broadcast %jit3A_774 : i32 to vector<16xi32>
      %select_n3A_776 = arith.select %or3A_764, %get3A_773, %broadcast_in_dim3A_775 : vector<16xi1>, vector<16xi32>
      %swap3A_777 = arith.constant 368 : index
      %swap3A_778 = tpu.vector_load %arg11[%swap3A_777] {strides = array<i32>} : memref<384xi32, #tpu.memory_space<vmem>>, vector<16xi32>,
      tpu.vector_store %arg11[%swap3A_777], %select_n3A_776 {strides = array<i32>} : memref<384xi32, #tpu.memory_space<vmem>>, vector<16xi32>,
      "tpu.region"() ({
        %run_scoped3A = tpu.sem_alloc : memref<!tpu.dma_semaphore, #tpu.memory_space<semaphore_mem>>
        %dma_start3A = arith.constant 0 : i32
        %dma_start3A_779 = tpu.memref_slice %arg5[%arg1, %dma_start3A] : memref<16x384xf32, #tpu.memory_space<hbm>> -> memref<1x384xf32, #tpu.memory_space<hbm>>
        %dma_start3A_780 = tpu.memref_squeeze %dma_start3A_779 : memref<1x384xf32, #tpu.memory_space<hbm>> -> memref<384xf32, #tpu.memory_space<hbm>>
        %dma_start3A_781 = arith.constant 0 : i32
        %dma_start3A_782 = tpu.memref_slice %arg5[%arg1, %dma_start3A_781] : memref<16x384xf32, #tpu.memory_space<hbm>> -> memref<1x384xf32, #tpu.memory_space<hbm>>
        %dma_start3A_783 = tpu.memref_squeeze %dma_start3A_782 : memref<1x384xf32, #tpu.memory_space<hbm>> -> memref<384xf32, #tpu.memory_space<hbm>>
        tpu.enqueue_dma source(%arg10 : memref<384xf32, #tpu.memory_space<vmem>>) target(%dma_start3A_783 : memref<384xf32, #tpu.memory_space<hbm>>) target_semaphore(%run_scoped3A : memref<!tpu.dma_semaphore, #tpu.memory_space<semaphore_mem>>)
        %dma_wait3A = arith.constant 0 : i32
        %dma_wait3A_784 = tpu.memref_slice %arg5[%arg1, %dma_wait3A] : memref<16x384xf32, #tpu.memory_space<hbm>> -> memref<1x384xf32, #tpu.memory_space<hbm>>
        %dma_wait3A_785 = tpu.memref_squeeze %dma_wait3A_784 : memref<1x384xf32, #tpu.memory_space<hbm>> -> memref<384xf32, #tpu.memory_space<hbm>>
        %dma_wait3A_786 = arith.constant 0 : i32
        %dma_wait3A_787 = tpu.memref_slice %arg5[%arg1, %dma_wait3A_786] : memref<16x384xf32, #tpu.memory_space<hbm>> -> memref<1x384xf32, #tpu.memory_space<hbm>>
        %dma_wait3A_788 = tpu.memref_squeeze %dma_wait3A_787 : memref<1x384xf32, #tpu.memory_space<hbm>> -> memref<384xf32, #tpu.memory_space<hbm>>
        tpu.wait_dma2 semaphore(%run_scoped3A : memref<!tpu.dma_semaphore, #tpu.memory_space<semaphore_mem>>) src(%arg10 : memref<384xf32, #tpu.memory_space<vmem>>) dst(%dma_wait3A_788 : memref<384xf32, #tpu.memory_space<hbm>>)
        tpu.yield
      }) : () -> ()
      "tpu.region"() ({
        %run_scoped3A = tpu.sem_alloc : memref<!tpu.dma_semaphore, #tpu.memory_space<semaphore_mem>>
        %dma_start3A = arith.constant 0 : i32
        %dma_start3A_779 = tpu.memref_slice %arg6[%arg1, %dma_start3A] : memref<16x384xi32, #tpu.memory_space<hbm>> -> memref<1x384xi32, #tpu.memory_space<hbm>>
        %dma_start3A_780 = tpu.memref_squeeze %dma_start3A_779 : memref<1x384xi32, #tpu.memory_space<hbm>> -> memref<384xi32, #tpu.memory_space<hbm>>
        %dma_start3A_781 = arith.constant 0 : i32
        %dma_start3A_782 = tpu.memref_slice %arg6[%arg1, %dma_start3A_781] : memref<16x384xi32, #tpu.memory_space<hbm>> -> memref<1x384xi32, #tpu.memory_space<hbm>>
        %dma_start3A_783 = tpu.memref_squeeze %dma_start3A_782 : memref<1x384xi32, #tpu.memory_space<hbm>> -> memref<384xi32, #tpu.memory_space<hbm>>
        tpu.enqueue_dma source(%arg11 : memref<384xi32, #tpu.memory_space<vmem>>) target(%dma_start3A_783 : memref<384xi32, #tpu.memory_space<hbm>>) target_semaphore(%run_scoped3A : memref<!tpu.dma_semaphore, #tpu.memory_space<semaphore_mem>>)
        %dma_wait3A = arith.constant 0 : i32
        %dma_wait3A_784 = tpu.memref_slice %arg6[%arg1, %dma_wait3A] : memref<16x384xi32, #tpu.memory_space<hbm>> -> memref<1x384xi32, #tpu.memory_space<hbm>>
        %dma_wait3A_785 = tpu.memref_squeeze %dma_wait3A_784 : memref<1x384xi32, #tpu.memory_space<hbm>> -> memref<384xi32, #tpu.memory_space<hbm>>
        %dma_wait3A_786 = arith.constant 0 : i32
        %dma_wait3A_787 = tpu.memref_slice %arg6[%arg1, %dma_wait3A_786] : memref<16x384xi32, #tpu.memory_space<hbm>> -> memref<1x384xi32, #tpu.memory_space<hbm>>
        %dma_wait3A_788 = tpu.memref_squeeze %dma_wait3A_787 : memref<1x384xi32, #tpu.memory_space<hbm>> -> memref<384xi32, #tpu.memory_space<hbm>>
        tpu.wait_dma2 semaphore(%run_scoped3A : memref<!tpu.dma_semaphore, #tpu.memory_space<semaphore_mem>>) src(%arg11 : memref<384xi32, #tpu.memory_space<vmem>>) dst(%dma_wait3A_788 : memref<384xi32, #tpu.memory_space<hbm>>)
        tpu.yield
      }) : () -> ()
    } else {
    }
    return
  }
}

module attributes {stable_mosaic.version = 14 : i64} {
  func.func @_apply_kernel(%arg0: i32, %arg1: memref<112x16x384xf32, #tpu.memory_space<vmem>>, %arg2: memref<16x384xf32, #tpu.memory_space<vmem>>, %arg3: memref<16x384xi32, #tpu.memory_space<vmem>>, %arg4: memref<16x384xi32, #tpu.memory_space<vmem>>, %arg5: memref<112x16x384xf32, #tpu.memory_space<vmem>>) attributes {dimension_semantics = [#tpu.dimension_semantics<arbitrary>], iteration_bounds = array<i64: 7>, scalar_prefetch = 0 : i64, scratch_operands = 0 : i64, tpu.core_type = #tpu.core_type<tc>, window_params = [{transform_indices = @transform_0, window_bounds = array<i64: 112, 16, 384>}, {pipeline_mode = #tpu.pipeline_mode<synchronous>, transform_indices = @transform_1, window_bounds = array<i64: 16, 384>}, {pipeline_mode = #tpu.pipeline_mode<synchronous>, transform_indices = @transform_2, window_bounds = array<i64: 16, 384>}, {pipeline_mode = #tpu.pipeline_mode<synchronous>, transform_indices = @transform_3, window_bounds = array<i64: 16, 384>}, {transform_indices = @transform_4, window_bounds = array<i64: 112, 16, 384>}]} {
    %get3A = arith.constant 0 : index
    %get3A_0 = arith.constant 0 : index
    %get3A_1 = arith.constant 0 : index
    %get3A_2 = vector.load %arg1[%get3A, %get3A_0, %get3A_1] : memref<112x16x384xf32, #tpu.memory_space<vmem>>, vector<112x16x384xf32>
    %iota3A = tpu.iota {dimensions = array<i32: 0>} : vector<112x1x1xi32>
    %mul3A = arith.constant 112 : i32
    %mul3A_3 = arith.muli %arg0, %mul3A : i32
    %add3A = vector.broadcast %mul3A_3 : i32 to vector<112x1x1xi32>
    %add3A_4 = arith.addi %iota3A, %add3A : vector<112x1x1xi32>
    %jit3A = arith.constant 28 : i32
    %div3A = vector.broadcast %jit3A : i32 to vector<112x1x1xi32>
    %div3A_5 = arith.divsi %add3A_4, %div3A : vector<112x1x1xi32>
    %sign3A = arith.constant 0 : i32
    %sign3A_6 = vector.broadcast %sign3A : i32 to vector<112x1x1xi32>
    %sign3A_7 = arith.cmpi sgt, %add3A_4, %sign3A_6 : vector<112x1x1xi32>
    %sign3A_8 = arith.extui %sign3A_7 : vector<112x1x1xi1> to vector<112x1x1xi32>
    %sign3A_9 = arith.constant 0 : i32
    %sign3A_10 = vector.broadcast %sign3A_9 : i32 to vector<112x1x1xi32>
    %sign3A_11 = arith.cmpi slt, %add3A_4, %sign3A_10 : vector<112x1x1xi32>
    %sign3A_12 = arith.extui %sign3A_11 : vector<112x1x1xi1> to vector<112x1x1xi32>
    %sign3A_13 = arith.subi %sign3A_8, %sign3A_12 : vector<112x1x1xi32>
    %sign3A_14 = arith.constant 0 : i32
    %sign3A_15 = arith.cmpi sgt, %jit3A, %sign3A_14 : i32
    %sign3A_16 = arith.extui %sign3A_15 : i1 to i32
    %sign3A_17 = arith.constant 0 : i32
    %sign3A_18 = arith.cmpi slt, %jit3A, %sign3A_17 : i32
    %sign3A_19 = arith.extui %sign3A_18 : i1 to i32
    %sign3A_20 = arith.subi %sign3A_16, %sign3A_19 : i32
    %ne3A = vector.broadcast %sign3A_20 : i32 to vector<112x1x1xi32>
    %ne3A_21 = arith.cmpi ne, %sign3A_13, %ne3A : vector<112x1x1xi32>
    %rem3A = vector.broadcast %jit3A : i32 to vector<112x1x1xi32>
    %rem3A_22 = arith.remsi %add3A_4, %rem3A : vector<112x1x1xi32>
    %ne3A_23 = arith.constant 0 : i32
    %ne3A_24 = vector.broadcast %ne3A_23 : i32 to vector<112x1x1xi32>
    %ne3A_25 = arith.cmpi ne, %rem3A_22, %ne3A_24 : vector<112x1x1xi32>
    %and3A = arith.andi %ne3A_21, %ne3A_25 : vector<112x1x1xi1>
    %sub3A = arith.constant 1 : i32
    %sub3A_26 = vector.broadcast %sub3A : i32 to vector<112x1x1xi32>
    %sub3A_27 = arith.subi %div3A_5, %sub3A_26 : vector<112x1x1xi32>
    %select_n3A = arith.select %and3A, %sub3A_27, %div3A_5 : vector<112x1x1xi1>, vector<112x1x1xi32>
    %mul3A_28 = arith.constant 28 : i32
    %mul3A_29 = vector.broadcast %mul3A_28 : i32 to vector<112x1x1xi32>
    %mul3A_30 = arith.muli %select_n3A, %mul3A_29 : vector<112x1x1xi32>
    %sub3A_31 = arith.subi %add3A_4, %mul3A_30 : vector<112x1x1xi32>
    %get3A_32 = arith.constant 0 : index
    %get3A_33 = arith.constant 0 : index
    %get3A_34 = vector.load %arg3[%get3A_32, %get3A_33] : memref<16x384xi32, #tpu.memory_space<vmem>>, vector<16x384xi32>
    %broadcast_in_dim3A = vector.shape_cast %get3A_34 : vector<16x384xi32> to vector<1x16x384xi32>
    %sub3A_35 = vector.broadcast %select_n3A : vector<112x1x1xi32> to vector<112x16x384xi32>
    %sub3A_36 = vector.broadcast %broadcast_in_dim3A : vector<1x16x384xi32> to vector<112x16x384xi32>
    %sub3A_37 = arith.subi %sub3A_35, %sub3A_36 : vector<112x16x384xi32>
    %le3A = arith.constant 4 : i32
    %le3A_38 = vector.broadcast %le3A : i32 to vector<112x16x384xi32>
    %le3A_39 = arith.cmpi ule, %sub3A_37, %le3A_38 : vector<112x16x384xi32>
    %get3A_40 = arith.constant 0 : index
    %get3A_41 = arith.constant 0 : index
    %get3A_42 = vector.load %arg4[%get3A_40, %get3A_41] : memref<16x384xi32, #tpu.memory_space<vmem>>, vector<16x384xi32>
    %broadcast_in_dim3A_43 = vector.shape_cast %get3A_42 : vector<16x384xi32> to vector<1x16x384xi32>
    %sub3A_44 = vector.broadcast %sub3A_31 : vector<112x1x1xi32> to vector<112x16x384xi32>
    %sub3A_45 = vector.broadcast %broadcast_in_dim3A_43 : vector<1x16x384xi32> to vector<112x16x384xi32>
    %sub3A_46 = arith.subi %sub3A_44, %sub3A_45 : vector<112x16x384xi32>
    %le3A_47 = arith.constant 4 : i32
    %le3A_48 = vector.broadcast %le3A_47 : i32 to vector<112x16x384xi32>
    %le3A_49 = arith.cmpi ule, %sub3A_46, %le3A_48 : vector<112x16x384xi32>
    %and3A_50 = arith.andi %le3A_39, %le3A_49 : vector<112x16x384xi1>
    %get3A_51 = arith.constant 0 : index
    %get3A_52 = arith.constant 0 : index
    %get3A_53 = vector.load %arg2[%get3A_51, %get3A_52] : memref<16x384xf32, #tpu.memory_space<vmem>>, vector<16x384xf32>
    %broadcast_in_dim3A_54 = vector.shape_cast %get3A_53 : vector<16x384xf32> to vector<1x16x384xf32>
    %mul3A_55 = vector.broadcast %broadcast_in_dim3A_54 : vector<1x16x384xf32> to vector<112x16x384xf32>
    %mul3A_56 = arith.mulf %get3A_2, %mul3A_55 : vector<112x16x384xf32>
    %jit3A_57 = arith.constant 0.000000e+00 : f32
    %broadcast_in_dim3A_58 = vector.broadcast %jit3A_57 : f32 to vector<112x16x384xf32>
    %select_n3A_59 = arith.select %and3A_50, %broadcast_in_dim3A_58, %mul3A_56 : vector<112x16x384xi1>, vector<112x16x384xf32>
    %swap3A = arith.constant 0 : index
    %swap3A_60 = arith.constant 0 : index
    %swap3A_61 = arith.constant 0 : index
    %swap3A_62 = vector.load %arg5[%swap3A, %swap3A_60, %swap3A_61] : memref<112x16x384xf32, #tpu.memory_space<vmem>>, vector<112x16x384xf32>
    tpu.vector_store %arg5[%swap3A, %swap3A_60, %swap3A_61], %select_n3A_59 {strides = array<i32>} : memref<112x16x384xf32, #tpu.memory_space<vmem>>, vector<112x16x384xf32>,
    return
  }
  func.func @transform_0(%arg0: i32) -> (i32, i32, i32) {
    %c0_i32 = arith.constant 0 : i32
    %c0_i32_0 = arith.constant 0 : i32
    %c0_i32_1 = arith.constant 0 : i32
    return %arg0, %c0_i32, %c0_i32_0 : i32, i32, i32
  }
  func.func @transform_1(%arg0: i32) -> (i32, i32) {
    %c0_i32 = arith.constant 0 : i32
    %c0_i32_0 = arith.constant 0 : i32
    %c0_i32_1 = arith.constant 0 : i32
    return %c0_i32, %c0_i32_0 : i32, i32
  }
  func.func @transform_2(%arg0: i32) -> (i32, i32) {
    %c0_i32 = arith.constant 0 : i32
    %c0_i32_0 = arith.constant 0 : i32
    %c0_i32_1 = arith.constant 0 : i32
    return %c0_i32, %c0_i32_0 : i32, i32
  }
  func.func @transform_3(%arg0: i32) -> (i32, i32) {
    %c0_i32 = arith.constant 0 : i32
    %c0_i32_0 = arith.constant 0 : i32
    %c0_i32_1 = arith.constant 0 : i32
    return %c0_i32, %c0_i32_0 : i32, i32
  }
  func.func @transform_4(%arg0: i32) -> (i32, i32, i32) {
    %c0_i32 = arith.constant 0 : i32
    %c0_i32_0 = arith.constant 0 : i32
    %c0_i32_1 = arith.constant 0 : i32
    return %arg0, %c0_i32, %c0_i32_0 : i32, i32, i32
  }
}

module attributes {stable_mosaic.version = 14 : i64} {
  func.func @_stats_kernel(%arg0: i32, %arg1: memref<112x16x384xf32, #tpu.memory_space<vmem>>, %arg2: memref<24x384xf32, #tpu.memory_space<vmem>>, %arg3: memref<384x24xf32, #tpu.memory_space<vmem>>, %arg4: memref<16x384xf32, #tpu.memory_space<vmem>>, %arg5: memref<16x384xi32, #tpu.memory_space<vmem>>, %arg6: memref<16x384xi32, #tpu.memory_space<vmem>>, %arg7: memref<16x384xf32, #tpu.memory_space<vmem>>, %arg8: memref<16x384xf32, #tpu.memory_space<vmem>>, %arg9: memref<16x384xf32, #tpu.memory_space<vmem>>, %arg10: memref<16x384xi32, #tpu.memory_space<vmem>>) attributes {dimension_semantics = [#tpu.dimension_semantics<arbitrary>], iteration_bounds = array<i64: 7>, scalar_prefetch = 0 : i64, scratch_operands = 3 : i64, tpu.core_type = #tpu.core_type<tc>, window_params = [{transform_indices = @transform_0, window_bounds = array<i64: 112, 16, 384>}, {pipeline_mode = #tpu.pipeline_mode<synchronous>, transform_indices = @transform_1, window_bounds = array<i64: 24, 384>}, {pipeline_mode = #tpu.pipeline_mode<synchronous>, transform_indices = @transform_2, window_bounds = array<i64: 384, 24>}, {pipeline_mode = #tpu.pipeline_mode<synchronous>, transform_indices = @transform_3, window_bounds = array<i64: 16, 384>}, {pipeline_mode = #tpu.pipeline_mode<synchronous>, transform_indices = @transform_4, window_bounds = array<i64: 16, 384>}, {pipeline_mode = #tpu.pipeline_mode<synchronous>, transform_indices = @transform_5, window_bounds = array<i64: 16, 384>}, {pipeline_mode = #tpu.pipeline_mode<synchronous>, transform_indices = @transform_6, window_bounds = array<i64: 16, 384>}]} {
    %get3A = arith.constant 0 : index
    %get3A_0 = arith.constant 0 : index
    %get3A_1 = arith.constant 0 : index
    %get3A_2 = vector.load %arg1[%get3A, %get3A_0, %get3A_1] : memref<112x16x384xf32, #tpu.memory_space<vmem>>, vector<112x16x384xf32>
    %reduce_sum3A = arith.constant dense<0.000000e+00> : vector<16x384xf32>
    %reduce_sum3A_3 = vector.multi_reduction <add>, %get3A_2, %reduce_sum3A [0] : vector<112x16x384xf32> to vector<16x384xf32>
    %reduce_max3A = arith.constant dense<0xFF800000> : vector<16x384xf32>
    %reduce_max3A_4 = vector.multi_reduction <maximumf>, %get3A_2, %reduce_max3A [0] : vector<112x16x384xf32> to vector<16x384xf32>
    %iota3A = tpu.iota {dimensions = array<i32: 0>} : vector<112x1x1xi32>
    %mul3A = arith.constant 112 : i32
    %mul3A_5 = arith.muli %arg0, %mul3A : i32
    %add3A = vector.broadcast %mul3A_5 : i32 to vector<112x1x1xi32>
    %add3A_6 = arith.addi %iota3A, %add3A : vector<112x1x1xi32>
    %broadcast_in_dim3A = vector.shape_cast %reduce_max3A_4 : vector<16x384xf32> to vector<1x16x384xf32>
    %eq3A = vector.broadcast %broadcast_in_dim3A : vector<1x16x384xf32> to vector<112x16x384xf32>
    %eq3A_7 = arith.cmpf oeq, %get3A_2, %eq3A : vector<112x16x384xf32>
    %jit3A = arith.constant 784 : i32
    %broadcast_in_dim3A_8 = vector.shape_cast %add3A_6 : vector<112x1x1xi32> to vector<112x1x1xi32>
    %broadcast_in_dim3A_9 = vector.broadcast %broadcast_in_dim3A_8 : vector<112x1x1xi32> to vector<112x16x384xi32>
    %broadcast_in_dim3A_10 = vector.broadcast %jit3A : i32 to vector<112x16x384xi32>
    %select_n3A = arith.select %eq3A_7, %broadcast_in_dim3A_9, %broadcast_in_dim3A_10 : vector<112x16x384xi1>, vector<112x16x384xi32>
    %reduce_min3A = arith.constant dense<2147483647> : vector<16x384xi32>
    %reduce_min3A_11 = vector.multi_reduction <minsi>, %select_n3A, %reduce_min3A [0] : vector<112x16x384xi32> to vector<16x384xi32>
    %eq3A_12 = arith.constant 0 : i32
    %eq3A_13 = arith.cmpi eq, %arg0, %eq3A_12 : i32
    %convert_element_type3A = arith.extui %eq3A_13 : i1 to i32
    %cond3A = arith.constant 0 : i32
    %cond3A_14 = arith.cmpi ne, %convert_element_type3A, %cond3A : i32
    scf.if %cond3A_14 {
      %swap3A = arith.constant 0 : index
      %swap3A_24 = arith.constant 0 : index
      %swap3A_25 = vector.load %arg8[%swap3A, %swap3A_24] : memref<16x384xf32, #tpu.memory_space<vmem>>, vector<16x384xf32>
      tpu.vector_store %arg8[%swap3A, %swap3A_24], %reduce_sum3A_3 {strides = array<i32>} : memref<16x384xf32, #tpu.memory_space<vmem>>, vector<16x384xf32>,
      %swap3A_26 = arith.constant 0 : index
      %swap3A_27 = arith.constant 0 : index
      %swap3A_28 = vector.load %arg9[%swap3A_26, %swap3A_27] : memref<16x384xf32, #tpu.memory_space<vmem>>, vector<16x384xf32>
      tpu.vector_store %arg9[%swap3A_26, %swap3A_27], %reduce_max3A_4 {strides = array<i32>} : memref<16x384xf32, #tpu.memory_space<vmem>>, vector<16x384xf32>,
      %swap3A_29 = arith.constant 0 : index
      %swap3A_30 = arith.constant 0 : index
      %swap3A_31 = vector.load %arg10[%swap3A_29, %swap3A_30] : memref<16x384xi32, #tpu.memory_space<vmem>>, vector<16x384xi32>
      tpu.vector_store %arg10[%swap3A_29, %swap3A_30], %reduce_min3A_11 {strides = array<i32>} : memref<16x384xi32, #tpu.memory_space<vmem>>, vector<16x384xi32>,
    } else {
    }
    %gt3A = arith.constant 0 : i32
    %gt3A_15 = arith.cmpi sgt, %arg0, %gt3A : i32
    %convert_element_type3A_16 = arith.extui %gt3A_15 : i1 to i32
    %cond3A_17 = arith.constant 0 : i32
    %cond3A_18 = arith.cmpi ne, %convert_element_type3A_16, %cond3A_17 : i32
    scf.if %cond3A_18 {
      %get3A_24 = arith.constant 0 : index
      %get3A_25 = arith.constant 0 : index
      %get3A_26 = vector.load %arg9[%get3A_24, %get3A_25] : memref<16x384xf32, #tpu.memory_space<vmem>>, vector<16x384xf32>
      %gt3A_27 = arith.cmpf ogt, %reduce_max3A_4, %get3A_26 : vector<16x384xf32>
      %get3A_28 = arith.constant 0 : index
      %get3A_29 = arith.constant 0 : index
      %get3A_30 = vector.load %arg10[%get3A_28, %get3A_29] : memref<16x384xi32, #tpu.memory_space<vmem>>, vector<16x384xi32>
      %select_n3A_31 = arith.select %gt3A_27, %reduce_min3A_11, %get3A_30 : vector<16x384xi1>, vector<16x384xi32>
      %swap3A = arith.constant 0 : index
      %swap3A_32 = arith.constant 0 : index
      %swap3A_33 = vector.load %arg10[%swap3A, %swap3A_32] : memref<16x384xi32, #tpu.memory_space<vmem>>, vector<16x384xi32>
      tpu.vector_store %arg10[%swap3A, %swap3A_32], %select_n3A_31 {strides = array<i32>} : memref<16x384xi32, #tpu.memory_space<vmem>>, vector<16x384xi32>,
      %get3A_34 = arith.constant 0 : index
      %get3A_35 = arith.constant 0 : index
      %get3A_36 = vector.load %arg9[%get3A_34, %get3A_35] : memref<16x384xf32, #tpu.memory_space<vmem>>, vector<16x384xf32>
      %max3A = arith.maximumf %get3A_36, %reduce_max3A_4 : vector<16x384xf32>
      %swap3A_37 = arith.constant 0 : index
      %swap3A_38 = arith.constant 0 : index
      %swap3A_39 = vector.load %arg9[%swap3A_37, %swap3A_38] : memref<16x384xf32, #tpu.memory_space<vmem>>, vector<16x384xf32>
      tpu.vector_store %arg9[%swap3A_37, %swap3A_38], %max3A {strides = array<i32>} : memref<16x384xf32, #tpu.memory_space<vmem>>, vector<16x384xf32>,
      %get3A_40 = arith.constant 0 : index
      %get3A_41 = arith.constant 0 : index
      %get3A_42 = vector.load %arg8[%get3A_40, %get3A_41] : memref<16x384xf32, #tpu.memory_space<vmem>>, vector<16x384xf32>
      %add3A_43 = arith.addf %get3A_42, %reduce_sum3A_3 : vector<16x384xf32>
      %swap3A_44 = arith.constant 0 : index
      %swap3A_45 = arith.constant 0 : index
      %swap3A_46 = vector.load %arg8[%swap3A_44, %swap3A_45] : memref<16x384xf32, #tpu.memory_space<vmem>>, vector<16x384xf32>
      tpu.vector_store %arg8[%swap3A_44, %swap3A_45], %add3A_43 {strides = array<i32>} : memref<16x384xf32, #tpu.memory_space<vmem>>, vector<16x384xf32>,
    } else {
    }
    %eq3A_19 = arith.constant 6 : i32
    %eq3A_20 = arith.cmpi eq, %arg0, %eq3A_19 : i32
    %convert_element_type3A_21 = arith.extui %eq3A_20 : i1 to i32
    %cond3A_22 = arith.constant 0 : i32
    %cond3A_23 = arith.cmpi ne, %convert_element_type3A_21, %cond3A_22 : i32
    scf.if %cond3A_23 {
      %get3A_24 = arith.constant 0 : index
      %get3A_25 = arith.constant 0 : index
      %get3A_26 = vector.load %arg8[%get3A_24, %get3A_25] : memref<16x384xf32, #tpu.memory_space<vmem>>, vector<16x384xf32>
      %mul3A_27 = arith.constant 0.00127551018 : f32
      %mul3A_28 = vector.broadcast %mul3A_27 : f32 to vector<16x384xf32>
      %mul3A_29 = arith.mulf %get3A_26, %mul3A_28 : vector<16x384xf32>
      %get3A_30 = arith.constant 0 : index
      %get3A_31 = arith.constant 0 : index
      %get3A_32 = vector.load %arg2[%get3A_30, %get3A_31] : memref<24x384xf32, #tpu.memory_space<vmem>>, vector<24x384xf32>
      %dot_general3A = arith.constant dense<0.000000e+00> : vector<16x24xf32>
      %dot_general3A_33 = tpu.matmul %mul3A_29, %get3A_32, %dot_general3A {dimension_numbers = #tpu.dot_dimension_numbers<[1], [1], [0], [0], [0, 0, 1, 0], [], []>, transpose_lhs_hint = false} : vector<16x384xf32>, vector<24x384xf32>, vector<16x24xf32> -> vector<16x24xf32>
      %max3A = arith.constant 0.000000e+00 : f32
      %max3A_34 = vector.broadcast %max3A : f32 to vector<16x24xf32>
      %max3A_35 = arith.maximumf %dot_general3A_33, %max3A_34 : vector<16x24xf32>
      %get3A_36 = arith.constant 0 : index
      %get3A_37 = arith.constant 0 : index
      %get3A_38 = vector.load %arg3[%get3A_36, %get3A_37] : memref<384x24xf32, #tpu.memory_space<vmem>>, vector<384x24xf32>
      %dot_general3A_39 = arith.constant dense<0.000000e+00> : vector<16x384xf32>
      %dot_general3A_40 = tpu.matmul %max3A_35, %get3A_38, %dot_general3A_39 {dimension_numbers = #tpu.dot_dimension_numbers<[1], [1], [0], [0], [0, 0, 1, 0], [], []>, transpose_lhs_hint = false} : vector<16x24xf32>, vector<384x24xf32>, vector<16x384xf32> -> vector<16x384xf32>
      %logistic3A = arith.negf %dot_general3A_40 : vector<16x384xf32>
      %logistic3A_41 = math.exp %logistic3A : vector<16x384xf32>
      %logistic3A_42 = arith.constant 1.000000e+00 : f32
      %logistic3A_43 = vector.broadcast %logistic3A_42 : f32 to vector<16x384xf32>
      %logistic3A_44 = arith.addf %logistic3A_43, %logistic3A_41 : vector<16x384xf32>
      %logistic3A_45 = arith.divf %logistic3A_43, %logistic3A_44 : vector<16x384xf32>
      %swap3A = arith.constant 0 : index
      %swap3A_46 = arith.constant 0 : index
      %swap3A_47 = vector.load %arg4[%swap3A, %swap3A_46] : memref<16x384xf32, #tpu.memory_space<vmem>>, vector<16x384xf32>
      tpu.vector_store %arg4[%swap3A, %swap3A_46], %logistic3A_45 {strides = array<i32>} : memref<16x384xf32, #tpu.memory_space<vmem>>, vector<16x384xf32>,
      %get3A_48 = arith.constant 0 : index
      %get3A_49 = arith.constant 0 : index
      %get3A_50 = vector.load %arg10[%get3A_48, %get3A_49] : memref<16x384xi32, #tpu.memory_space<vmem>>, vector<16x384xi32>
      %jit3A_51 = arith.constant 28 : i32
      %div3A = vector.broadcast %jit3A_51 : i32 to vector<16x384xi32>
      %div3A_52 = arith.divsi %get3A_50, %div3A : vector<16x384xi32>
      %sign3A = arith.constant 0 : i32
      %sign3A_53 = vector.broadcast %sign3A : i32 to vector<16x384xi32>
      %sign3A_54 = arith.cmpi sgt, %get3A_50, %sign3A_53 : vector<16x384xi32>
      %sign3A_55 = arith.extui %sign3A_54 : vector<16x384xi1> to vector<16x384xi32>
      %sign3A_56 = arith.constant 0 : i32
      %sign3A_57 = vector.broadcast %sign3A_56 : i32 to vector<16x384xi32>
      %sign3A_58 = arith.cmpi slt, %get3A_50, %sign3A_57 : vector<16x384xi32>
      %sign3A_59 = arith.extui %sign3A_58 : vector<16x384xi1> to vector<16x384xi32>
      %sign3A_60 = arith.subi %sign3A_55, %sign3A_59 : vector<16x384xi32>
      %sign3A_61 = arith.constant 0 : i32
      %sign3A_62 = arith.cmpi sgt, %jit3A_51, %sign3A_61 : i32
      %sign3A_63 = arith.extui %sign3A_62 : i1 to i32
      %sign3A_64 = arith.constant 0 : i32
      %sign3A_65 = arith.cmpi slt, %jit3A_51, %sign3A_64 : i32
      %sign3A_66 = arith.extui %sign3A_65 : i1 to i32
      %sign3A_67 = arith.subi %sign3A_63, %sign3A_66 : i32
      %ne3A = vector.broadcast %sign3A_67 : i32 to vector<16x384xi32>
      %ne3A_68 = arith.cmpi ne, %sign3A_60, %ne3A : vector<16x384xi32>
      %rem3A = vector.broadcast %jit3A_51 : i32 to vector<16x384xi32>
      %rem3A_69 = arith.remsi %get3A_50, %rem3A : vector<16x384xi32>
      %ne3A_70 = arith.constant 0 : i32
      %ne3A_71 = vector.broadcast %ne3A_70 : i32 to vector<16x384xi32>
      %ne3A_72 = arith.cmpi ne, %rem3A_69, %ne3A_71 : vector<16x384xi32>
      %and3A = arith.andi %ne3A_68, %ne3A_72 : vector<16x384xi1>
      %sub3A = arith.constant 1 : i32
      %sub3A_73 = vector.broadcast %sub3A : i32 to vector<16x384xi32>
      %sub3A_74 = arith.subi %div3A_52, %sub3A_73 : vector<16x384xi32>
      %select_n3A_75 = arith.select %and3A, %sub3A_74, %div3A_52 : vector<16x384xi1>, vector<16x384xi32>
      %mul3A_76 = arith.constant 28 : i32
      %mul3A_77 = vector.broadcast %mul3A_76 : i32 to vector<16x384xi32>
      %mul3A_78 = arith.muli %select_n3A_75, %mul3A_77 : vector<16x384xi32>
      %sub3A_79 = arith.subi %get3A_50, %mul3A_78 : vector<16x384xi32>
      %sub3A_80 = arith.constant 2 : i32
      %sub3A_81 = vector.broadcast %sub3A_80 : i32 to vector<16x384xi32>
      %sub3A_82 = arith.subi %select_n3A_75, %sub3A_81 : vector<16x384xi32>
      %max3A_83 = arith.constant 0 : i32
      %max3A_84 = vector.broadcast %max3A_83 : i32 to vector<16x384xi32>
      %max3A_85 = arith.maxsi %sub3A_82, %max3A_84 : vector<16x384xi32>
      %add3A_86 = arith.constant 2 : i32
      %add3A_87 = vector.broadcast %add3A_86 : i32 to vector<16x384xi32>
      %add3A_88 = arith.addi %select_n3A_75, %add3A_87 : vector<16x384xi32>
      %min3A = arith.constant 27 : i32
      %min3A_89 = vector.broadcast %min3A : i32 to vector<16x384xi32>
      %min3A_90 = arith.minsi %add3A_88, %min3A_89 : vector<16x384xi32>
      %sub3A_91 = arith.constant 2 : i32
      %sub3A_92 = vector.broadcast %sub3A_91 : i32 to vector<16x384xi32>
      %sub3A_93 = arith.subi %sub3A_79, %sub3A_92 : vector<16x384xi32>
      %max3A_94 = arith.constant 0 : i32
      %max3A_95 = vector.broadcast %max3A_94 : i32 to vector<16x384xi32>
      %max3A_96 = arith.maxsi %sub3A_93, %max3A_95 : vector<16x384xi32>
      %add3A_97 = arith.constant 2 : i32
      %add3A_98 = vector.broadcast %add3A_97 : i32 to vector<16x384xi32>
      %add3A_99 = arith.addi %sub3A_79, %add3A_98 : vector<16x384xi32>
      %min3A_100 = arith.constant 27 : i32
      %min3A_101 = vector.broadcast %min3A_100 : i32 to vector<16x384xi32>
      %min3A_102 = arith.minsi %add3A_99, %min3A_101 : vector<16x384xi32>
      %sub3A_103 = arith.subi %min3A_90, %max3A_85 : vector<16x384xi32>
      %add3A_104 = arith.constant 1 : i32
      %add3A_105 = vector.broadcast %add3A_104 : i32 to vector<16x384xi32>
      %add3A_106 = arith.addi %sub3A_103, %add3A_105 : vector<16x384xi32>
      %sub3A_107 = arith.subi %min3A_102, %max3A_96 : vector<16x384xi32>
      %add3A_108 = arith.constant 1 : i32
      %add3A_109 = vector.broadcast %add3A_108 : i32 to vector<16x384xi32>
      %add3A_110 = arith.addi %sub3A_107, %add3A_109 : vector<16x384xi32>
      %mul3A_111 = arith.muli %add3A_106, %add3A_110 : vector<16x384xi32>
      %convert_element_type3A_112 = arith.sitofp %mul3A_111 : vector<16x384xi32> to vector<16x384xf32>
      %sub3A_113 = arith.constant 7.840000e+02 : f32
      %sub3A_114 = vector.broadcast %sub3A_113 : f32 to vector<16x384xf32>
      %sub3A_115 = arith.subf %sub3A_114, %convert_element_type3A_112 : vector<16x384xf32>
      %div3A_116 = arith.constant 7.840000e+02 : f32
      %div3A_117 = vector.broadcast %div3A_116 : f32 to vector<16x384xf32>
      %div3A_118 = arith.divf %div3A_117, %sub3A_115 : vector<16x384xf32>
      %swap3A_119 = arith.constant 0 : index
      %swap3A_120 = arith.constant 0 : index
      %swap3A_121 = vector.load %arg7[%swap3A_119, %swap3A_120] : memref<16x384xf32, #tpu.memory_space<vmem>>, vector<16x384xf32>
      tpu.vector_store %arg7[%swap3A_119, %swap3A_120], %div3A_118 {strides = array<i32>} : memref<16x384xf32, #tpu.memory_space<vmem>>, vector<16x384xf32>,
      %sub3A_122 = arith.constant 2 : i32
      %sub3A_123 = vector.broadcast %sub3A_122 : i32 to vector<16x384xi32>
      %sub3A_124 = arith.subi %select_n3A_75, %sub3A_123 : vector<16x384xi32>
      %swap3A_125 = arith.constant 0 : index
      %swap3A_126 = arith.constant 0 : index
      %swap3A_127 = vector.load %arg5[%swap3A_125, %swap3A_126] : memref<16x384xi32, #tpu.memory_space<vmem>>, vector<16x384xi32>
      tpu.vector_store %arg5[%swap3A_125, %swap3A_126], %sub3A_124 {strides = array<i32>} : memref<16x384xi32, #tpu.memory_space<vmem>>, vector<16x384xi32>,
      %sub3A_128 = arith.constant 2 : i32
      %sub3A_129 = vector.broadcast %sub3A_128 : i32 to vector<16x384xi32>
      %sub3A_130 = arith.subi %sub3A_79, %sub3A_129 : vector<16x384xi32>
      %swap3A_131 = arith.constant 0 : index
      %swap3A_132 = arith.constant 0 : index
      %swap3A_133 = vector.load %arg6[%swap3A_131, %swap3A_132] : memref<16x384xi32, #tpu.memory_space<vmem>>, vector<16x384xi32>
      tpu.vector_store %arg6[%swap3A_131, %swap3A_132], %sub3A_130 {strides = array<i32>} : memref<16x384xi32, #tpu.memory_space<vmem>>, vector<16x384xi32>,
    } else {
    }
    return
  }
  func.func @transform_0(%arg0: i32) -> (i32, i32, i32) {
    %c0_i32 = arith.constant 0 : i32
    %c0_i32_0 = arith.constant 0 : i32
    %c0_i32_1 = arith.constant 0 : i32
    return %arg0, %c0_i32, %c0_i32_0 : i32, i32, i32
  }
  func.func @transform_1(%arg0: i32) -> (i32, i32) {
    %c0_i32 = arith.constant 0 : i32
    %c0_i32_0 = arith.constant 0 : i32
    %c0_i32_1 = arith.constant 0 : i32
    return %c0_i32, %c0_i32_0 : i32, i32
  }
  func.func @transform_2(%arg0: i32) -> (i32, i32) {
    %c0_i32 = arith.constant 0 : i32
    %c0_i32_0 = arith.constant 0 : i32
    %c0_i32_1 = arith.constant 0 : i32
    return %c0_i32, %c0_i32_0 : i32, i32
  }
  func.func @transform_3(%arg0: i32) -> (i32, i32) {
    %c0_i32 = arith.constant 0 : i32
    %c0_i32_0 = arith.constant 0 : i32
    %c0_i32_1 = arith.constant 0 : i32
    return %c0_i32, %c0_i32_0 : i32, i32
  }
  func.func @transform_4(%arg0: i32) -> (i32, i32) {
    %c0_i32 = arith.constant 0 : i32
    %c0_i32_0 = arith.constant 0 : i32
    %c0_i32_1 = arith.constant 0 : i32
    return %c0_i32, %c0_i32_0 : i32, i32
  }
  func.func @transform_5(%arg0: i32) -> (i32, i32) {
    %c0_i32 = arith.constant 0 : i32
    %c0_i32_0 = arith.constant 0 : i32
    %c0_i32_1 = arith.constant 0 : i32
    return %c0_i32, %c0_i32_0 : i32, i32
  }
  func.func @transform_6(%arg0: i32) -> (i32, i32) {
    %c0_i32 = arith.constant 0 : i32
    %c0_i32_0 = arith.constant 0 : i32
    %c0_i32_1 = arith.constant 0 : i32
    return %c0_i32, %c0_i32_0 : i32, i32
  }
}

</mosaic_0001>

<sc_bundles>
// kernel: kernel.5.cloned.1.call-start
scs
__scs_entry_jumppad:
0x0: {  	(pc) =	sbr.rel $0x88, $3  }
0x1: {  	(tag) =	ssettag $0x0;
	lr =	simm.s32 $0x1  }
0x2: {  	[smem:$0x3F9E] =	sst lr;
	_ =	strace $0xD0000000  }
0x3: {  	_ = 	snop  }
0x4: {  	_ = 	snop  }
0x5: {  	_ = 	snop  }
0x6: {  	_ = 	snop  }
0x7: {  	_ = 	snop  }
__scs_overlays_trampoline_lowered:
0x8: {  	[smem:$0x3FAD] =	sst s0  }
0x9: {  	[smem:$0x3FAE] =	sst s1  }
0xa: {  	[smem:$0x3FAF] =	sst s2  }
0xb: {  	[smem:$0x3FB0] =	sst s3  }
0xc: {  	[smem:$0x3FB1] =	sst s4  }
0xd: {  	[smem:$0x3FB2] =	sst s5  }
0xe: {  	[smem:$0x3FB3] =	sst s6  }
0xf: {  	[smem:$0x3FB4] =	sst s7  }
0x10: {  	[smem:$0x3FB5] =	sst s8  }
0x11: {  	[smem:$0x3FB6] =	sst s9;
	s0 =	simm.s32 @!p0 $0x0  }
0x12: {  	s1 =	sld [smem:$0x3F9C];
	s0 =	simm.s32 @p0 $0x1  }
0x13: {  	[smem:$0x3FB7] =	sst s0;
	s0 =	simm.s32 @!p1 $0x0  }
0x14: {  	s2 =	sld [smem:$0x3F9B];
	s0 =	simm.s32 @p1 $0x1  }
0x15: {  	[smem:$0x3FB8] =	sst s0;
	s0 =	simm.s32 @!p2 $0x0  }
0x16: {  	s3 =	sld [smem:$0x3FDB];
	s0 =	simm.s32 @p2 $0x1  }
0x17: {  	s4 =	simm.s32 $0x1BF5;
	[smem:$0x3FBA] =	sst s0  }
0x18: {  	s0 =	sld [smem:$0x3F9D];
	_ =	swait.ge [sflag:s4], $0x0  }
0x19: {  	s7 =	sld [smem:$0x3F9E]  }
0x1a: {  	s8 =	sadd.s32 $0xFFFFE003, lr  }
0x1b: {  	s9 =	sadd.s32 $0xFFFFFEF7, lr;
	s5 =	simm.s32 $0xFFFFFFFF;
	p2 =	slt.u32 s8, $0xFFFFF086  }
0x1c: {  	p1 =	slt.u32 s9, $0xF7A;
	s5 =	simm.s32 @!p2 $0x0  }
0x1d: {  	s5 =	simm.s32 @p1 $0x1;
	p0 =	seq.s32 s7, s2  }
0x1e: {  	s7 =	smul.u32 @!p0 $0xF7A, s2;
	p2 =	seq.s32 @!p0 s5, $0x0  }
0x1f: {  	s9 =	smul.u32 $0xF7A, s1;
	s8 =	simm.s32 @!p0 $0x1BF5;
	p2 =	por !p2, p0  }
0x20: {  	[sflag:s8] =	ssyncset.s32 @!p0 $0xFFFFF086;
	s6 =	sadd.s32 @!p0 s3, s7;
	s7 =	simm.s32 @!p0 $0x108  }
0x21: {  	s3 =	sadd.s32 s3, s9;
	s6 =	sadd.s32 @!p0 $0x88, s6;
	s7 =	simm.s32 @p2 $0x1082  }
0x22: {  	[simem:s7], [sflag:s8] =	dma.local @!p0 [hbm:s6], $0xF7A  }
0x23: {  	s9 =	sor.u32 $0xD0000000, s2;
	s6 =	simm.s32 $0x108;
	_ =	swait.ge @!p0 [sflag:s8], $0x0  }
0x24: {  	s3 =	sadd.s32 $0x88, s3;
	s6 =	simm.s32 @!p1 $0x1082;
	[sflag:s4] =	ssyncset.s32 $0xFFFFF086  }
0x25: {  	[simem:s6], [sflag:s4] =	dma.local [hbm:s3], $0xF7A  }
0x26: {  	[smem:$0x3F9E] =	sst s1;
	(tag) =	ssettag s2;
	_ =	strace s9  }
0x27: {  	s1 =	sld [smem:$0x3FAE]  }
0x28: {  	s2 =	sld [smem:$0x3FAF]  }
0x29: {  	s4 =	sld [smem:$0x3FB1]  }
0x2a: {  	p0 =	seq.s32 s5, $0x0;
	s5 =	sld [smem:$0x3FB2]  }
0x2b: {  	s6 =	sld [smem:$0x3FB3]  }
0x2c: {  	s7 =	sld [smem:$0x3FB4]  }
0x2d: {  	s3 =	simm.s32 $0x108;
	s8 =	sld [smem:$0x3FB5]  }
0x2e: {  	s3 =	simm.s32 @!p0 $0x1082;
	s9 =	sld [smem:$0x3FB6]  }
0x2f: {  	lr =	sadd.s32 s0, s3;
	s0 =	sld [smem:$0x3FAD]  }
0x30: {  	s3 =	sld [smem:$0x3FB0]  }
0x31: {  	[smem:$0x3FB9] =	sst s10  }
0x32: {  	s10 =	sld [smem:$0x3FB7];
	_ =	sdelay $0x3  }
0x33: {  	p0 =	seq.s32 s10, $0x1;
	s10 =	sld [smem:$0x3FB9];
	_ =	sdelay $0x3  }
0x34: {  	[smem:$0x3FB9] =	sst s10  }
0x35: {  	s10 =	sld [smem:$0x3FB8];
	_ =	sdelay $0x3  }
0x36: {  	p1 =	seq.s32 s10, $0x1;
	s10 =	sld [smem:$0x3FB9];
	_ =	sdelay $0x3  }
0x37: {  	[smem:$0x3FB9] =	sst s10  }
0x38: {  	s10 =	sld [smem:$0x3FBA]  }
0x39: {  	_ = 	snop;
	(pc) =	sbr.ind lr, $3  }
0x3a: {  	_ = 	snop  }
0x3b: {  	_ = 	snop  }
0x3c: {  	p2 =	seq.s32 s10, $0x1;
	s10 =	sld [smem:$0x3FB9]  }
0x3d: {  	_ =	shalt  }
0x3e: {  	_ =	shalt  }
0x3f: {  	_ =	shalt  }
0x40: {  	_ =	shalt  }
0x41: {  	_ =	shalt  }
0x42: {  	_ =	shalt  }
0x43: {  	_ =	shalt  }
0x44: {  	_ =	shalt  }
0x45: {  	_ =	shalt  }
0x46: {  	_ =	shalt  }
0x47: {  	_ =	shalt  }
0x48: {  	_ =	shalt  }
0x49: {  	_ =	shalt  }
0x4a: {  	_ =	shalt  }
0x4b: {  	_ =	shalt  }
0x4c: {  	_ =	shalt  }
0x4d: {  	_ =	shalt  }
0x4e: {  	_ =	shalt  }
0x4f: {  	_ =	shalt  }
0x50: {  	_ =	shalt  }
0x51: {  	_ =	shalt  }
0x52: {  	_ =	shalt  }
0x53: {  	_ =	shalt  }
0x54: {  	_ =	shalt  }
0x55: {  	_ =	shalt  }
0x56: {  	_ =	shalt  }
0x57: {  	_ =	shalt  }
0x58: {  	_ =	shalt  }
0x59: {  	_ =	shalt  }
0x5a: {  	_ =	shalt  }
0x5b: {  	_ =	shalt  }
0x5c: {  	_ =	shalt  }
0x5d: {  	_ =	shalt  }
0x5e: {  	_ =	shalt  }
0x5f: {  	_ =	shalt  }
0x60: {  	_ =	shalt  }
0x61: {  	_ =	shalt  }
0x62: {  	_ =	shalt  }
0x63: {  	_ =	shalt  }
0x64: {  	_ =	shalt  }
0x65: {  	_ =	shalt  }
0x66: {  	_ =	shalt  }
0x67: {  	_ =	shalt  }
0x68: {  	_ =	shalt  }
0x69: {  	_ =	shalt  }
0x6a: {  	_ =	shalt  }
0x6b: {  	_ =	shalt  }
0x6c: {  	_ =	shalt  }
0x6d: {  	_ =	shalt  }
0x6e: {  	_ =	shalt  }
0x6f: {  	_ =	shalt  }
0x70: {  	_ =	shalt  }
0x71: {  	_ =	shalt  }
0x72: {  	_ =	shalt  }
0x73: {  	_ =	shalt  }
0x74: {  	_ =	shalt  }
0x75: {  	_ =	shalt  }
0x76: {  	_ =	shalt  }
0x77: {  	_ =	shalt  }
0x78: {  	_ =	shalt  }
0x79: {  	_ =	shalt  }
0x7a: {  	_ =	shalt  }
0x7b: {  	_ =	shalt  }
0x7c: {  	_ =	shalt  }
0x7d: {  	_ =	shalt  }
0x7e: {  	_ =	shalt  }
0x7f: {  	_ =	shalt  }
0x80: {  	_ =	shalt  }
0x81: {  	_ =	shalt  }
0x82: {  	_ =	shalt  }
0x83: {  	_ =	shalt  }
0x84: {  	_ =	shalt  }
0x85: {  	_ =	shalt  }
0x86: {  	_ =	shalt  }
0x87: {  	_ =	shalt  }
.Lfunc_end0:
.L_simem_size_0:
called_computation_lowered:
.L_overlay_start_0:
0x88: {  	s2 =	sld [smem:$0x3FD9]  }
0x89: {  	s3 =	sld [smem:$0x3FFE];
	_ =	sdelay $0x1  }
0x8a: {  	s1 =	srdreg.scid  }
0x8b: {  	s0 =	sand.u32 $0x1, s1  }
0x8c: {  	s17 =	sshll.u32 s0, $0xA;
	s2 =	sadd.s32 s3, s2  }
0x8d: {  	s2 =	sadd.s32 s2, s17  }
0x8e: {  	[smem:$0x3FC5] =	sst s2  }
0x8f: {  	_ = 	snop  }
0x90: {  	s2 =	sld [smem:$0x3FD0];
	(tm) =	ssettm $0x1  }
0x91: {  	s18 =	sld [smem:$0x3FFB];
	_ =	sdelay $0x3  }
0x92: {  	_ =	strace s18  }
0x93: {  	s3 =	sld [smem:$0x3FFC];
	_ =	sdelay $0x3  }
0x94: {  	_ =	strace s3  }
0x95: {  	s3 =	sld [smem:$0x3FFD];
	_ =	sdelay $0x3  }
0x96: {  	_ =	strace s3  }
0x97: {  	_ =	strace $0x8FFFFFFF  }
0x98: {  	s19 =	sld [smem:$0x3FDB];
	_ =	sdelay $0x1  }
0x99: {  	s4 =	simm.s32 $_scs_section_size  }
0x9a: {  	s5 =	simm.s32 $_size__tile_overlayer_lowered;
	s6 =	simm.s32 $_tile_overlayer_lowered  }
0x9b: {  	s22 =	simm.s32 $0x1BFF;
	s21 =	sshll.u32 s6, $0x1;
	s3 =	sadd.s32 s4, s19  }
0x9c: {  	s7 =	simm.s32 $0x0;
	s20 =	sshll.u32 s5, $0x1;
	s5 =	sadd.s32 s21, s3  }
0x9d: {  	[timem:s7], [sflag:s22] =	dma.local [hbm:s5], s20  }
0x9e: {  	_ =	swait.ge [sflag:s22], s20  }
0x9f: {  	s4 =	ssub.s32 $0x0, s20;
	[sflag:s22] =	ssyncset.done $0x0  }
0xa0: {  	[sflag:s22] =	ssyncadd.s32 s4;
	_ =	sdelay $0x1  }
0xa1: {  	s23 =	simm.s32 $0x1B8B  }
0xa2: {  	_ =	swait.ge [sflag:s23], $0x1  }
0xa3: {  	[sflag:s23] =	ssyncset.done $0x0  }
0xa4: {  	s25 =	simm.s32 $0x1B8E;
	s24 =	sld [smem:$0x3FFE];
	[sflag:s23] =	ssyncadd.s32 $0xFFFFFFFF  }
0xa5: {  	s26 =	simm.s32 $execute0_lowered;
	[smem:$0x3FD2] =	sst s25  }
0xa6: {  	s5 =	sshll.u32 s26, $0x1;
	_ =	strace $0x80000046;
	[dreg:$0x1] =	wrdreg $0xFFFFFFFF  }
0xa7: {  	s28 =	simm.s32 $_size_execute0_lowered;
	s3 =	sadd.s32 s3, s5;
	[dreg:$0x0] =	wrdreg $0x0  }
0xa8: {  	s5 =	sshll.u32 s28, $0x1;
	[dreg:$0x2] =	wrdreg s3  }
0xa9: {  	[dreg:$0x3] =	wrdreg s5  }
0xaa: {  	[dreg:$0x4] =	wrdreg $0xC0  }
0xab: {  	_ =	task [dreg:s7], $0x5FFFF  }
0xac: {  	[dreg:$0x1] =	wrdreg $0xFFFFFFFF  }
0xad: {  	[dreg:$0x0] =	wrdreg $0x60  }
0xae: {  	[dreg:$0x2] =	wrdreg s2  }
0xaf: {  	[dreg:$0x3] =	wrdreg s24  }
0xb0: {  	[dreg:$0x4] =	wrdreg $0x9  }
0xb1: {  	_ =	task.clear_ibuf [dreg:s7], $0x5FFFF;
	_ =	strace $0x90000046  }
0xb2: {  	s29 =	simm.s32 $0x9;
	_ =	strace $0x80000048  }
0xb3: {  	_ =	swait.ge [sflag:s29], $0x1  }
0xb4: {  	[sflag:s29] =	ssyncadd.s32 $0xFFFFFFFF  }
0xb5: {  	_ =	strace $0x90000048  }
0xb6: {  	_ =	sfence  }
0xb7: {  	s30 =	sld [smem:$0x0];
	_ =	sdelay $0x2  }
0xb8: {  	s31 =	sshll.u32 s1, $0xD;
	s1 =	sshrl.u32 s1, $0x2  }
0xb9: {  	s3 =	sand.u32 $0x4000, s31;
	s1 =	sadd.s32 s1, s30  }
0xba: {  	s0 =	sor.u32 s3, s0;
	s1 =	sshll.u32 s1, $0x11  }
0xbb: {  	s0 =	sor.u32 s1, s0  }
0xbc: {  	s0 =	sadd.s32 $0x8F2B, s0  }
0xbd: {  	[sflag:s0] =	ssyncadd.remote.s32 $0x1  }
0xbe: {  	_ =	sfence.sel $0xFFFF  }
0xbf: {  	[dreg:$0x0] =	wrdreg $0xFFFFFFFF;
	(pc) =	sbr.abs _section_cstart, $3  }
0xc0: {  	[dreg:$0x1] =	wrdreg $0xFFFFFFFF  }
0xc1: {  	_ =	task.clear_ibuf [dreg:s7], $0x2FFFF;
	_ =	strace $0x9FFFFFFF  }
0xc2: {  	(tm) =	ssettm $0x7FFFFFFF  }
0xc3: {  	_ =	shalt  }
tec
execute0_lowered:
.L_overlay_start_1:
0x0: {  	(tag) =	ssettag $0x1  }
0x1: {  	s1 =	srdreg.scid  }
0x2: {  	s1 =	sand.u32 $0x1, s1  }
0x3: {  	p0 =	seq.s32 s1, $0x1  }
.Ltmp0:
0x4: {  	_ = 	snop;
	(pc) =	sbr.rel @p0 .LBB2_6-.Ltmp0, $4  }
0x5: {  	s3 =	rddreg [dreg:$0x0]  }
0x6: {  	s2 =	rddreg [dreg:$0x1];
	s4 =	simm.s32 $0x0  }
0x7: {  	[smem:$0x7FF] =	sst s4  }
0x8: {  	s0 =	rddreg [dreg:$0x2];
	_ =	strace $0x80000047;
	s1 =	stileid.u32  }
0x9: {  	s5 =	sshrl.u32 s1, $0x3  }
0xa: {  	s6 =	sshll.u32 s1, $0x7;
	s5 =	smul.u32 $0xC00, s5  }
0xb: {  	s6 =	sand.u32 $0x380, s6  }
0xc: {  	s5 =	sor.u32 s6, s5  }
0xd: {  	s25 =	simm.s32 $0x80;
	s5 =	sshrl.u32 s5, $0x3  }
0xe: {  	s7 =	simm.s32 $0x400;
	s26 =	simm.s32 $0x1;
	s3 =	sadd.s32 s3, s5  }
0xf: {  	[tilespmem:s4], [sflag:$0x1] =	stream.strided.gather [hbm4b:s3+s25], $0x180, s7, s25, $0x38;
	[tilespmem:$0x780] =	vst v63  }
0x10: {  	_ =	swait.ge [sflag:s26], $0x180  }
0x11: {  	s28 =	sadd.s32 $0x1A00, s2;
	[sflag:s26] =	ssyncset.done $0x0  }
0x12: {  	s8 =	simm.s32 $0x180;
	s4 =	sadd.s32 s28, s5;
	[sflag:s26] =	ssyncadd.s32 $0xFFFFFE80  }
0x13: {  	[tilespmem:s8], [sflag:$0x1] =	stream.strided.gather [hbm4b:s4+s25], $0x180, s7, s25, $0x38;
	[tilespmem:$0x780] =	vst v63  }
0x14: {  	_ =	swait.ge [sflag:s26], $0x180  }
0x15: {  	s29 =	sadd.s32 $0x1E00, s2;
	[sflag:s26] =	ssyncset.done $0x0  }
0x16: {  	s30 =	simm.s32 $0x300;
	s4 =	sadd.s32 s29, s5;
	[sflag:s26] =	ssyncadd.s32 $0xFFFFFE80  }
0x17: {  	[tilespmem:s30], [sflag:$0x1] =	stream.strided.gather [hbm4b:s4+s25], $0x180, s7, s25, $0x38;
	[tilespmem:$0x780] =	vst v63  }
0x18: {  	_ =	swait.ge [sflag:s26], $0x180  }
0x19: {  	[sflag:s26] =	ssyncset.done $0x0  }
0x1a: {  	[sflag:s26] =	ssyncadd.s32 $0xFFFFFE80  }
0x1b: {  	v1 =	vld [tilespmem:$0x0]  }
0x1c: {  	v2 =	vld [tilespmem:$0x10]  }
0x1d: {  	v3 =	vld [tilespmem:$0x20]  }
0x1e: {  	v4 =	vld [tilespmem:$0x30]  }
0x1f: {  	v5 =	vld [tilespmem:$0x40]  }
0x20: {  	v6 =	vld [tilespmem:$0x50]  }
0x21: {  	v7 =	vld [tilespmem:$0x60]  }
0x22: {  	v8 =	vld [tilespmem:$0x70]  }
0x23: {  	v11 =	vld [tilespmem:$0x80]  }
0x24: {  	v12 =	vld [tilespmem:$0x90]  }
0x25: {  	v13 =	vld [tilespmem:$0xA0]  }
0x26: {  	v14 =	vld [tilespmem:$0xB0]  }
0x27: {  	v15 =	vld [tilespmem:$0xC0]  }
0x28: {  	v16 =	vld [tilespmem:$0xD0]  }
0x29: {  	v17 =	vld [tilespmem:$0xE0]  }
0x2a: {  	v18 =	vld [tilespmem:$0xF0]  }
0x2b: {  	v19 =	vld [tilespmem:$0x100]  }
0x2c: {  	v20 =	vld [tilespmem:$0x110]  }
0x2d: {  	v21 =	vld [tilespmem:$0x120]  }
0x2e: {  	v22 =	vld [tilespmem:$0x130]  }
0x2f: {  	v23 =	vld [tilespmem:$0x140]  }
0x30: {  	s31 =	sadd.s32 s5, s2;
	v24 =	vld [tilespmem:$0x150]  }
0x31: {  	s6 =	simm.s32 $0x20000000;
	s3 =	sadd.s32 $0x2200, s31;
	v25 =	vld [tilespmem:$0x160]  }
0x32: {  	v0 =	vimm.s32 $0x0;
	s2 =	sadd.s32 $0x2600, s31;
	s5 =	simm.s32 $0x1;
	s4 =	simm.s32 $0x20000000;
	v26 =	vld [tilespmem:$0x170]  }
.LBB2_2:
0x33: {  	p0 =	sne.s32 s5, $0x1D;
	v9 =	vor.u32 s6, v0  }
0x34: {  	vm0 =	vge.s32 v1, v9;
	vm1 =	vge.s32 v2, v9  }
0x35: {  	v10 =	vmpcnt.ones.xlane vm0;
	v27 =	vmpcnt.ones.xlane vm1;
	vm0 =	vge.s32 v3, v9  }
0x36: {  	v28 =	vmpcnt.ones.xlane vm0;
	vm0 =	vge.s32 v4, v9  }
0x37: {  	v10 =	vadd.s32 v10, v27;
	v27 =	vmpcnt.ones.xlane vm0;
	vm0 =	vge.s32 v5, v9  }
0x38: {  	v10 =	vadd.s32 v28, v10;
	v28 =	vmpcnt.ones.xlane vm0;
	vm0 =	vge.s32 v6, v9  }
0x39: {  	v10 =	vadd.s32 v27, v10;
	v27 =	vmpcnt.ones.xlane vm0;
	vm0 =	vge.s32 v7, v9  }
0x3a: {  	v10 =	vadd.s32 v28, v10;
	v28 =	vmpcnt.ones.xlane vm0;
	vm0 =	vge.s32 v8, v9  }
0x3b: {  	v10 =	vadd.s32 v27, v10;
	v27 =	vmpcnt.ones.xlane vm0;
	vm0 =	vge.s32 v11, v9  }
0x3c: {  	v10 =	vadd.s32 v28, v10;
	v28 =	vmpcnt.ones.xlane vm0;
	vm0 =	vge.s32 v12, v9  }
0x3d: {  	v10 =	vadd.s32 v27, v10;
	v27 =	vmpcnt.ones.xlane vm0;
	vm0 =	vge.s32 v13, v9  }
0x3e: {  	v10 =	vadd.s32 v28, v10;
	v28 =	vmpcnt.ones.xlane vm0;
	vm0 =	vge.s32 v14, v9  }
0x3f: {  	v10 =	vadd.s32 v27, v10;
	v27 =	vmpcnt.ones.xlane vm0;
	vm0 =	vge.s32 v15, v9  }
0x40: {  	v10 =	vadd.s32 v28, v10;
	v28 =	vmpcnt.ones.xlane vm0;
	vm0 =	vge.s32 v16, v9  }
0x41: {  	v10 =	vadd.s32 v27, v10;
	v27 =	vmpcnt.ones.xlane vm0;
	vm0 =	vge.s32 v17, v9  }
0x42: {  	v10 =	vadd.s32 v28, v10;
	v28 =	vmpcnt.ones.xlane vm0;
	vm0 =	vge.s32 v18, v9  }
0x43: {  	v10 =	vadd.s32 v27, v10;
	v27 =	vmpcnt.ones.xlane vm0;
	vm0 =	vge.s32 v19, v9  }
0x44: {  	v10 =	vadd.s32 v28, v10;
	v28 =	vmpcnt.ones.xlane vm0;
	vm0 =	vge.s32 v20, v9  }
0x45: {  	v10 =	vadd.s32 v27, v10;
	v27 =	vmpcnt.ones.xlane vm0;
	vm0 =	vge.s32 v21, v9  }
0x46: {  	v10 =	vadd.s32 v28, v10;
	v28 =	vmpcnt.ones.xlane vm0;
	vm0 =	vge.s32 v22, v9  }
0x47: {  	v10 =	vadd.s32 v27, v10;
	v27 =	vmpcnt.ones.xlane vm0;
	vm0 =	vge.s32 v23, v9  }
0x48: {  	v10 =	vadd.s32 v28, v10;
	v28 =	vmpcnt.ones.xlane vm0;
	vm0 =	vge.s32 v24, v9  }
0x49: {  	v10 =	vadd.s32 v27, v10;
	v27 =	vmpcnt.ones.xlane vm0;
	vm0 =	vge.s32 v25, v9  }
0x4a: {  	v10 =	vadd.s32 v28, v10;
	v28 =	vmpcnt.ones.xlane vm0;
	vm0 =	vge.s32 v26, v9  }
.Ltmp1:
0x4b: {  	v10 =	vadd.s32 v27, v10;
	v27 =	vmpcnt.ones.xlane vm0;
	(pc) =	sbr.rel @p0 .LBB2_2-.Ltmp1, $4  }
0x4c: {  	v10 =	vadd.s32 v28, v10  }
0x4d: {  	v10 =	vadd.s32 v27, v10  }
0x4e: {  	vm0 =	vgt.s32 v10, $0x38  }
0x4f: {  	s6 =	sshrl.u32 s4, s5;
	s5 =	sadd.s32 $0x1, s5;
	v0 =	vsel vm0, v9, v0  }
0x50: {  	v9 =	vor.u32 s6, v0  }
0x51: {  	vm0 =	vge.s32 v1, v9;
	vm1 =	vge.s32 v2, v9  }
0x52: {  	v1 =	vmpcnt.ones.xlane vm0;
	v10 =	vmpcnt.ones.xlane vm1;
	vm0 =	vge.s32 v3, v9  }
0x53: {  	v27 =	vmpcnt.ones.xlane vm0;
	vm0 =	vge.s32 v4, v9  }
0x54: {  	v1 =	vadd.s32 v1, v10;
	v10 =	vmpcnt.ones.xlane vm0;
	vm0 =	vge.s32 v5, v9  }
0x55: {  	v1 =	vadd.s32 v27, v1;
	v27 =	vmpcnt.ones.xlane vm0;
	vm0 =	vge.s32 v6, v9  }
0x56: {  	v1 =	vadd.s32 v10, v1;
	v10 =	vmpcnt.ones.xlane vm0;
	vm0 =	vge.s32 v7, v9  }
0x57: {  	v1 =	vadd.s32 v27, v1;
	v27 =	vmpcnt.ones.xlane vm0;
	vm0 =	vge.s32 v8, v9  }
0x58: {  	v1 =	vadd.s32 v10, v1;
	v10 =	vmpcnt.ones.xlane vm0;
	vm0 =	vge.s32 v11, v9  }
0x59: {  	v1 =	vadd.s32 v27, v1;
	v27 =	vmpcnt.ones.xlane vm0;
	vm0 =	vge.s32 v12, v9  }
0x5a: {  	v1 =	vadd.s32 v10, v1;
	v10 =	vmpcnt.ones.xlane vm0;
	vm0 =	vge.s32 v13, v9  }
0x5b: {  	v1 =	vadd.s32 v27, v1;
	v27 =	vmpcnt.ones.xlane vm0;
	vm0 =	vge.s32 v14, v9  }
0x5c: {  	v1 =	vadd.s32 v10, v1;
	v10 =	vmpcnt.ones.xlane vm0;
	vm0 =	vge.s32 v15, v9  }
0x5d: {  	v1 =	vadd.s32 v27, v1;
	v27 =	vmpcnt.ones.xlane vm0;
	vm0 =	vge.s32 v16, v9  }
0x5e: {  	v1 =	vadd.s32 v10, v1;
	v10 =	vmpcnt.ones.xlane vm0;
	vm0 =	vge.s32 v17, v9  }
0x5f: {  	v1 =	vadd.s32 v27, v1;
	v27 =	vmpcnt.ones.xlane vm0;
	vm0 =	vge.s32 v18, v9  }
0x60: {  	v1 =	vadd.s32 v10, v1;
	v10 =	vmpcnt.ones.xlane vm0;
	vm0 =	vge.s32 v19, v9  }
0x61: {  	v1 =	vadd.s32 v27, v1;
	v27 =	vmpcnt.ones.xlane vm0;
	vm0 =	vge.s32 v20, v9  }
0x62: {  	v1 =	vadd.s32 v10, v1;
	v10 =	vmpcnt.ones.xlane vm0;
	vm0 =	vge.s32 v21, v9  }
0x63: {  	v1 =	vadd.s32 v27, v1;
	v27 =	vmpcnt.ones.xlane vm0;
	vm0 =	vge.s32 v22, v9  }
0x64: {  	v1 =	vadd.s32 v10, v1;
	v10 =	vmpcnt.ones.xlane vm0;
	vm0 =	vge.s32 v23, v9  }
0x65: {  	v1 =	vadd.s32 v27, v1;
	v27 =	vmpcnt.ones.xlane vm0;
	vm0 =	vge.s32 v24, v9  }
0x66: {  	v1 =	vadd.s32 v10, v1;
	v10 =	vmpcnt.ones.xlane vm0;
	vm0 =	vge.s32 v25, v9  }
0x67: {  	v1 =	vadd.s32 v27, v1;
	v27 =	vmpcnt.ones.xlane vm0;
	vm0 =	vge.s32 v26, v9  }
0x68: {  	v1 =	vadd.s32 v10, v1;
	v10 =	vmpcnt.ones.xlane vm0  }
0x69: {  	v27 =	vadd.s32 v27, v1;
	v1 =	vld [tilespmem:$0x0]  }
0x6a: {  	v35 =	vlaneseq.u32;
	v60 =	vimm.s32 $0x0;
	v10 =	vadd.s32 v10, v27  }
0x6b: {  	v61 =	vimm.s32 $0x0;
	v62 =	vimm.s32 $0x0;
	vm0 =	vgt.s32 v10, $0x38  }
0x6c: {  	v63 =	vimm.s32 $0x0;
	v30 =	vadd.s32 $0x121, v35;
	v0 =	vsel vm0, v9, v0  }
0x6d: {  	v31 =	vadd.s32 $0x131, v35;
	v32 =	vadd.s32 $0x141, v35;
	v9 =	vadd.s32 $0x1, v0  }
0x6e: {  	v33 =	vadd.s32 $0x151, v35;
	vm0 =	vge.s32 v1, v9;
	vm1 =	vge.s32 v2, v9  }
0x6f: {  	v10 =	vmpcnt.ones.xlane vm0;
	v27 =	vmpcnt.ones.xlane vm1;
	vm0 =	vge.s32 v3, v9  }
0x70: {  	v34 =	vadd.s32 $0x161, v35;
	v28 =	vmpcnt.ones.xlane vm0;
	vm0 =	vge.s32 v4, v9  }
0x71: {  	v29 =	vmpcnt.ones.xlane vm0;
	vm0 =	vge.s32 v5, v9;
	v10 =	vadd.s32 v27, v10  }
0x72: {  	v27 =	vmpcnt.ones.xlane vm0;
	vm0 =	vge.s32 v6, v9;
	v10 =	vadd.s32 v28, v10  }
0x73: {  	v28 =	vmpcnt.ones.xlane vm0;
	vm0 =	vge.s32 v7, v9;
	v10 =	vadd.s32 v29, v10  }
0x74: {  	v29 =	vmpcnt.ones.xlane vm0;
	vm0 =	vge.s32 v8, v9;
	v10 =	vadd.s32 v27, v10  }
0x75: {  	v27 =	vmpcnt.ones.xlane vm0;
	vm0 =	vge.s32 v11, v9;
	v10 =	vadd.s32 v28, v10  }
0x76: {  	v28 =	vmpcnt.ones.xlane vm0;
	vm0 =	vge.s32 v12, v9;
	v10 =	vadd.s32 v29, v10  }
0x77: {  	v29 =	vmpcnt.ones.xlane vm0;
	vm0 =	vge.s32 v13, v9;
	v10 =	vadd.s32 v27, v10  }
0x78: {  	v27 =	vmpcnt.ones.xlane vm0;
	vm0 =	vge.s32 v14, v9;
	v10 =	vadd.s32 v28, v10  }
0x79: {  	v28 =	vmpcnt.ones.xlane vm0;
	vm0 =	vge.s32 v15, v9;
	v10 =	vadd.s32 v29, v10  }
0x7a: {  	v29 =	vmpcnt.ones.xlane vm0;
	vm0 =	vge.s32 v16, v9;
	v10 =	vadd.s32 v27, v10  }
0x7b: {  	v27 =	vmpcnt.ones.xlane vm0;
	vm0 =	vge.s32 v17, v9;
	v10 =	vadd.s32 v28, v10  }
0x7c: {  	v28 =	vmpcnt.ones.xlane vm0;
	vm0 =	vge.s32 v18, v9;
	v10 =	vadd.s32 v29, v10  }
0x7d: {  	v29 =	vmpcnt.ones.xlane vm0;
	vm0 =	vge.s32 v19, v9;
	v10 =	vadd.s32 v27, v10  }
0x7e: {  	v27 =	vmpcnt.ones.xlane vm0;
	vm0 =	vge.s32 v20, v9;
	v10 =	vadd.s32 v28, v10  }
0x7f: {  	v28 =	vmpcnt.ones.xlane vm0;
	vm0 =	vge.s32 v21, v9;
	v10 =	vadd.s32 v29, v10  }
0x80: {  	v29 =	vmpcnt.ones.xlane vm0;
	vm0 =	vge.s32 v22, v9;
	v10 =	vadd.s32 v27, v10  }
0x81: {  	v27 =	vmpcnt.ones.xlane vm0;
	vm0 =	vge.s32 v23, v9;
	v10 =	vadd.s32 v28, v10  }
0x82: {  	v28 =	vmpcnt.ones.xlane vm0;
	vm0 =	vge.s32 v24, v9;
	v10 =	vadd.s32 v29, v10  }
0x83: {  	v29 =	vmpcnt.ones.xlane vm0;
	vm0 =	vge.s32 v25, v9;
	v10 =	vadd.s32 v27, v10  }
0x84: {  	v27 =	vmpcnt.ones.xlane vm0;
	vm0 =	vge.s32 v26, v9;
	v9 =	vadd.s32 v28, v10  }
0x85: {  	v28 =	vadd.s32 $0x101, v35;
	v10 =	vmpcnt.ones.xlane vm0;
	v9 =	vadd.s32 v29, v9  }
0x86: {  	vm0 =	veq.s32 v26, v0;
	v26 =	vimm.s32 $0x0;
	v29 =	vadd.s32 $0x111, v35  }
0x87: {  	v9 =	vadd.s32 v27, v9;
	v26 =	vsel vm0, $0xFFFFFFFF, v26;
	vm0 =	veq.s32 v25, v0  }
0x88: {  	v25 =	vimm.s32 $0x0;
	v27 =	vadd.s32 $0xF1, v35;
	v9 =	vadd.s32 v10, v9  }
0x89: {  	v25 =	vsel vm0, $0xFFFFFFFF, v25;
	vm0 =	veq.s32 v24, v0;
	v24 =	vimm.s32 $0x0  }
0x8a: {  	[tilespmem:$0x1FE50] =	vst v26;
	v26 =	vadd.s32 $0xE1, v35;
	v10 =	vsub.s32 $0x39, v9;
	v9 =	vimm.s32 $0x0  }
0x8b: {  	v24 =	vsel vm0, $0xFFFFFFFF, v24;
	vm0 =	veq.s32 v23, v0;
	v23 =	vimm.s32 $0x0  }
0x8c: {  	[tilespmem:$0x1FE60] =	vst v25;
	v23 =	vsel vm0, $0xFFFFFFFF, v23;
	vm0 =	veq.s32 v22, v0;
	v22 =	vimm.s32 $0x0  }
0x8d: {  	v25 =	vadd.s32 $0xD1, v35;
	[tilespmem:$0x1FE70] =	vst v24;
	v24 =	vadd.s32 $0xC1, v35;
	v22 =	vsel vm0, $0xFFFFFFFF, v22  }
0x8e: {  	[tilespmem:$0x1FE80] =	vst v23;
	vm0 =	veq.s32 v21, v0;
	v21 =	vimm.s32 $0x0;
	v23 =	vadd.s32 $0xB1, v35  }
0x8f: {  	v21 =	vsel vm0, $0xFFFFFFFF, v21;
	vm0 =	veq.s32 v20, v0;
	v20 =	vimm.s32 $0x0  }
0x90: {  	[tilespmem:$0x1FE90] =	vst v22;
	v20 =	vsel vm0, $0xFFFFFFFF, v20;
	vm0 =	veq.s32 v19, v0;
	v19 =	vimm.s32 $0x0  }
0x91: {  	v22 =	vadd.s32 $0xA1, v35;
	[tilespmem:$0x1FEA0] =	vst v21;
	v21 =	vadd.s32 $0x91, v35;
	v19 =	vsel vm0, $0xFFFFFFFF, v19  }
0x92: {  	[tilespmem:$0x1FEB0] =	vst v20;
	vm0 =	veq.s32 v18, v0;
	v18 =	vimm.s32 $0x0;
	v20 =	vadd.s32 $0x81, v35  }
0x93: {  	v18 =	vsel vm0, $0xFFFFFFFF, v18;
	vm0 =	veq.s32 v17, v0;
	v17 =	vimm.s32 $0x0  }
0x94: {  	[tilespmem:$0x1FEC0] =	vst v19;
	v17 =	vsel vm0, $0xFFFFFFFF, v17;
	vm0 =	veq.s32 v16, v0;
	v16 =	vimm.s32 $0x0  }
0x95: {  	v19 =	vadd.s32 $0x1, v35;
	[tilespmem:$0x1FED0] =	vst v18;
	v18 =	vadd.s32 $0x11, v35;
	v16 =	vsel vm0, $0xFFFFFFFF, v16  }
0x96: {  	[tilespmem:$0x1FEE0] =	vst v17;
	vm0 =	veq.s32 v15, v0;
	v15 =	vimm.s32 $0x0;
	v17 =	vadd.s32 $0x21, v35  }
0x97: {  	v15 =	vsel vm0, $0xFFFFFFFF, v15;
	vm0 =	veq.s32 v14, v0;
	v14 =	vimm.s32 $0x0  }
0x98: {  	v14 =	vsel vm0, $0xFFFFFFFF, v14;
	vm0 =	veq.s32 v13, v0;
	v13 =	vimm.s32 $0x0  }
0x99: {  	v13 =	vsel vm0, $0xFFFFFFFF, v13;
	vm0 =	veq.s32 v12, v0;
	v12 =	vimm.s32 $0x0  }
0x9a: {  	v12 =	vsel vm0, $0xFFFFFFFF, v12;
	vm0 =	veq.s32 v11, v0;
	v11 =	vimm.s32 $0x0  }
0x9b: {  	[tilespmem:$0x1FEF0] =	vst v16;
	v11 =	vsel vm0, $0xFFFFFFFF, v11;
	vm0 =	veq.s32 v8, v0;
	v8 =	vimm.s32 $0x0  }
0x9c: {  	v16 =	vadd.s32 $0x31, v35;
	[tilespmem:$0x1FF00] =	vst v15;
	v8 =	vsel vm0, $0xFFFFFFFF, v8;
	vm0 =	veq.s32 v7, v0  }
0x9d: {  	v15 =	vadd.s32 $0x41, v35;
	[tilespmem:$0x1FF10] =	vst v14;
	v7 =	vsel vm0, $0xFFFFFFFF, v60;
	vm0 =	veq.s32 v6, v0  }
0x9e: {  	v14 =	vadd.s32 $0x51, v35;
	[tilespmem:$0x1FF20] =	vst v13;
	v6 =	vsel vm0, $0xFFFFFFFF, v61;
	vm0 =	veq.s32 v5, v0  }
0x9f: {  	v13 =	vadd.s32 $0x61, v35;
	[tilespmem:$0x1FF30] =	vst v12;
	v5 =	vsel vm0, $0xFFFFFFFF, v62;
	vm0 =	veq.s32 v4, v0  }
0xa0: {  	[tilespmem:$0x1FF40] =	vst v11;
	v4 =	vsel vm0, $0xFFFFFFFF, v63;
	vm0 =	veq.s32 v3, v0;
	v3 =	vimm.s32 $0x0  }
0xa1: {  	[tilespmem:$0x1FF50] =	vst v8;
	v3 =	vsel vm0, $0xFFFFFFFF, v3;
	vm0 =	veq.s32 v2, v0;
	v2 =	vimm.s32 $0x0  }
0xa2: {  	s4 =	simm.s32 $0x100;
	v12 =	vadd.s32 $0x71, v35;
	v35 =	vadd.s32 $0x171, v35;
	[tilespmem:$0x1FF60] =	vst v7;
	v2 =	vsel vm0, $0xFFFFFFFF, v2  }
0xa3: {  	v11 =	vor.u32 s4, v9;
	vm0 =	veq.s32 v1, v0;
	[tilespmem:$0x1FFB0] =	vst v2;
	v2 =	vimm.s32 $0x0  }
0xa4: {  	vm4 =	vlt.s32 v11, v35;
	[tilespmem:$0x1FF70] =	vst v6;
	v2 =	vsel vm0, $0xFFFFFFFF, v2  }
0xa5: {  	vm14 =	vlt.s32 v11, v32;
	vm0 =	vlt.s32 v11, v29;
	[tilespmem:$0x1FFC0] =	vst v2;
	v2 =	vimm.s32 $0x0  }
0xa6: {  	vm12 =	vlt.s32 v11, v33;
	vm9 =	vlt.s32 v11, v34;
	[tilespmem:$0x1FF80] =	vst v5;
	v2 =	vsel vm0, $0xFFFFFFFF, v2  }
0xa7: {  	vm5 =	vlt.s32 v11, v26;
	vm0 =	vlt.s32 v11, v30;
	[tilespmem:$0x1FFD0] =	vst v2;
	v2 =	vimm.s32 $0x0  }
0xa8: {  	vm15 =	vlt.s32 v11, v28;
	vm8 =	vlt.s32 v11, v23;
	[tilespmem:$0x1FF90] =	vst v4;
	v2 =	vsel vm0, $0xFFFFFFFF, v2  }
0xa9: {  	vm7 =	vlt.s32 v11, v24;
	vm0 =	vlt.s32 v11, v31;
	[tilespmem:$0x1FFE0] =	vst v2;
	v2 =	vimm.s32 $0x0  }
0xaa: {  	vm6 =	vlt.s32 v11, v25;
	vm13 =	vlt.s32 v11, v20;
	[tilespmem:$0x1FFA0] =	vst v3;
	v2 =	vsel vm0, $0xFFFFFFFF, v2  }
0xab: {  	s5 =	simm.s32 $0x1;
	s4 =	simm.s32 $0x100;
	vm11 =	vlt.s32 v11, v21;
	vm10 =	vlt.s32 v11, v22;
	vm0 =	vlt.s32 v11, v27;
	[tilespmem:$0x1FFF0] =	vst v2  }
.LBB2_4:
0xac: {  	v2 =	vimm.s32 $0x0  }
0xad: {  	v2 =	vsel vm14, $0xFFFFFFFF, v2  }
0xae: {  	[tilespmem:$0x1FE10] =	vst v2;
	v2 =	vimm.s32 $0x0  }
0xaf: {  	v2 =	vsel vm12, $0xFFFFFFFF, v2  }
0xb0: {  	[tilespmem:$0x1FE20] =	vst v2;
	v2 =	vimm.s32 $0x0  }
0xb1: {  	v2 =	vsel vm9, $0xFFFFFFFF, v2  }
0xb2: {  	[tilespmem:$0x1FE30] =	vst v2;
	v2 =	vimm.s32 $0x0  }
0xb3: {  	v2 =	vsel vm4, $0xFFFFFFFF, v2  }
0xb4: {  	[tilespmem:$0x1FE40] =	vst v2;
	v2 =	vld [tilespmem:$0x1FFC0];
	_ =	sdelay $0x4  }
0xb5: {  	vm14 =	vnez.u8 v2;
	v2 =	vld [tilespmem:$0x1FFB0]  }
0xb6: {  	v4 =	vld [tilespmem:$0x1FFA0];
	_ =	sdelay $0x1  }
0xb7: {  	v5 =	vld [tilespmem:$0x1FF90];
	vm4 =	vlt.s32 v11, v19  }
0xb8: {  	vm4 =	vmand vm14, vm4  }
0xb9: {  	v55 =	vld [tilespmem:$0x1FF80];
	vm9 =	vlt.s32 v11, v18;
	vm14 =	vnez.u8 v2;
	v2 =	vmpcnt.ones.xlane vm4  }
0xba: {  	vm4 =	vnez.u8 v4;
	vm9 =	vmand vm14, vm9;
	vm14 =	vlt.s32 v11, v17  }
0xbb: {  	v57 =	vld [tilespmem:$0x1FF70];
	vm12 =	vlt.s32 v11, v16;
	vm4 =	vmand vm4, vm14  }
0xbc: {  	v3 =	vmpcnt.ones.xlane vm9;
	v54 =	vmpcnt.ones.xlane vm4;
	vm4 =	vnez.u8 v5  }
0xbd: {  	v58 =	vld [tilespmem:$0x1FF60];
	vm9 =	vlt.s32 v11, v15;
	vm4 =	vmand vm4, vm12  }
0xbe: {  	v2 =	vadd.s32 v2, v3;
	v3 =	vmpcnt.ones.xlane vm4;
	vm4 =	vnez.u8 v55  }
0xbf: {  	v60 =	vld [tilespmem:$0x1FF50];
	vm4 =	vmand vm4, vm9  }
0xc0: {  	vm1 =	vlt.s32 v11, v14;
	v56 =	vmpcnt.ones.xlane vm4;
	vm4 =	vnez.u8 v57  }
0xc1: {  	vm2 =	vlt.s32 v11, v13;
	v61 =	vld [tilespmem:$0x1FF40];
	v2 =	vadd.s32 v54, v2;
	vm1 =	vmand vm4, vm1  }
0xc2: {  	v2 =	vadd.s32 v3, v2;
	v3 =	vmpcnt.ones.xlane vm1;
	vm1 =	vnez.u8 v58  }
0xc3: {  	v63 =	vld [tilespmem:$0x1FF30];
	vm1 =	vmand vm1, vm2  }
0xc4: {  	vm3 =	vlt.s32 v11, v12;
	v59 =	vmpcnt.ones.xlane vm1;
	vm1 =	vnez.u8 v60  }
0xc5: {  	v36 =	vld [tilespmem:$0x1FF20];
	v2 =	vadd.s32 v56, v2;
	vm1 =	vmand vm1, vm3  }
0xc6: {  	v2 =	vadd.s32 v3, v2;
	v3 =	vmpcnt.ones.xlane vm1;
	vm1 =	vnez.u8 v61  }
0xc7: {  	v38 =	vld [tilespmem:$0x1FF10];
	vm1 =	vmand vm1, vm13  }
0xc8: {  	v62 =	vmpcnt.ones.xlane vm1;
	vm1 =	vnez.u8 v63  }
0xc9: {  	v39 =	vld [tilespmem:$0x1FF00];
	v2 =	vadd.s32 v59, v2;
	vm1 =	vmand vm1, vm11  }
0xca: {  	v2 =	vadd.s32 v3, v2;
	v3 =	vmpcnt.ones.xlane vm1;
	vm1 =	vnez.u8 v36  }
0xcb: {  	v41 =	vld [tilespmem:$0x1FEF0];
	vm1 =	vmand vm1, vm10  }
0xcc: {  	v37 =	vmpcnt.ones.xlane vm1;
	vm1 =	vnez.u8 v38  }
0xcd: {  	v42 =	vld [tilespmem:$0x1FEE0];
	v2 =	vadd.s32 v62, v2;
	vm1 =	vmand vm1, vm8  }
0xce: {  	v2 =	vadd.s32 v3, v2;
	v3 =	vmpcnt.ones.xlane vm1;
	vm1 =	vnez.u8 v39  }
0xcf: {  	v44 =	vld [tilespmem:$0x1FED0];
	vm1 =	vmand vm1, vm7  }
0xd0: {  	v40 =	vmpcnt.ones.xlane vm1;
	vm1 =	vnez.u8 v41  }
0xd1: {  	v45 =	vld [tilespmem:$0x1FEC0];
	v2 =	vadd.s32 v37, v2;
	vm1 =	vmand vm1, vm6  }
0xd2: {  	v48 =	vld [tilespmem:$0x1FFD0];
	v2 =	vadd.s32 v3, v2;
	v3 =	vmpcnt.ones.xlane vm1;
	vm1 =	vnez.u8 v42  }
0xd3: {  	v47 =	vld [tilespmem:$0x1FEB0];
	vm1 =	vmand vm1, vm5  }
0xd4: {  	v49 =	vld [tilespmem:$0x1FEA0];
	v43 =	vmpcnt.ones.xlane vm1;
	vm1 =	vnez.u8 v44  }
0xd5: {  	v50 =	vld [tilespmem:$0x1FFE0];
	v2 =	vadd.s32 v40, v2;
	vm0 =	vmand vm1, vm0  }
0xd6: {  	v52 =	vld [tilespmem:$0x1FE90];
	v2 =	vadd.s32 v3, v2;
	v3 =	vmpcnt.ones.xlane vm0;
	vm0 =	vnez.u8 v45  }
0xd7: {  	v53 =	vld [tilespmem:$0x1FFF0];
	vm1 =	vnez.u8 v48;
	vm0 =	vmand vm0, vm15  }
0xd8: {  	v54 =	vld [tilespmem:$0x1FE80];
	v2 =	vadd.s32 v43, v2;
	v46 =	vmpcnt.ones.xlane vm0;
	vm0 =	vnez.u8 v47  }
0xd9: {  	v55 =	vld [tilespmem:$0x1FE10];
	v2 =	vadd.s32 v3, v2;
	vm0 =	vmand vm0, vm1  }
0xda: {  	v57 =	vld [tilespmem:$0x1FE70];
	vm1 =	vnez.u8 v50;
	v3 =	vmpcnt.ones.xlane vm0;
	vm0 =	vnez.u8 v49  }
0xdb: {  	v58 =	vld [tilespmem:$0x1FE20];
	v2 =	vadd.s32 v46, v2;
	vm0 =	vmand vm0, vm1  }
0xdc: {  	v60 =	vld [tilespmem:$0x1FE30];
	vm1 =	vnez.u8 v53;
	v51 =	vmpcnt.ones.xlane vm0;
	vm0 =	vnez.u8 v52  }
0xdd: {  	v59 =	vld [tilespmem:$0x1FE60];
	v2 =	vadd.s32 v3, v2;
	vm0 =	vmand vm0, vm1  }
0xde: {  	v63 =	vld [tilespmem:$0x1FE40];
	vm1 =	vnez.u8 v55;
	v3 =	vmpcnt.ones.xlane vm0;
	vm0 =	vnez.u8 v54  }
0xdf: {  	v62 =	vld [tilespmem:$0x1FE50];
	v2 =	vadd.s32 v51, v2;
	vm0 =	vmand vm0, vm1  }
0xe0: {  	vm1 =	vnez.u8 v58;
	v56 =	vmpcnt.ones.xlane vm0;
	vm0 =	vnez.u8 v57  }
0xe1: {  	v2 =	vadd.s32 v3, v2;
	vm0 =	vmand vm0, vm1  }
0xe2: {  	vm1 =	vnez.u8 v60;
	v3 =	vmpcnt.ones.xlane vm0;
	vm0 =	vnez.u8 v59  }
0xe3: {  	vm0 =	vmand vm0, vm1  }
0xe4: {  	vm1 =	vnez.u8 v63;
	v61 =	vmpcnt.ones.xlane vm0;
	vm0 =	vnez.u8 v62  }
0xe5: {  	v2 =	vadd.s32 v56, v2;
	vm0 =	vmand vm0, vm1  }
0xe6: {  	v2 =	vadd.s32 v3, v2;
	v3 =	vmpcnt.ones.xlane vm0  }
0xe7: {  	v2 =	vadd.s32 v61, v2  }
0xe8: {  	v2 =	vadd.s32 v3, v2  }
0xe9: {  	vm0 =	vlt.s32 v2, v10  }
0xea: {  	s6 =	sshrl.u32 s4, s5;
	v9 =	vsel vm0, v9, v11  }
0xeb: {  	v2 =	vimm.s32 $0x0;
	v11 =	vor.u32 s6, v9  }
0xec: {  	vm4 =	vlt.s32 v11, v35;
	vm14 =	vlt.s32 v11, v32;
	vm0 =	vlt.s32 v11, v29  }
0xed: {  	p0 =	sne.s32 s5, $0x8;
	vm12 =	vlt.s32 v11, v33;
	vm9 =	vlt.s32 v11, v34;
	v2 =	vsel vm0, $0xFFFFFFFF, v2  }
.Ltmp2:
0xee: {  	vm5 =	vlt.s32 v11, v26;
	vm0 =	vlt.s32 v11, v30;
	[tilespmem:$0x1FFD0] =	vst v2;
	v2 =	vimm.s32 $0x0;
	(pc) =	sbr.rel @p0 .LBB2_4-.Ltmp2, $4  }
0xef: {  	vm15 =	vlt.s32 v11, v28;
	vm8 =	vlt.s32 v11, v23;
	v2 =	vsel vm0, $0xFFFFFFFF, v2  }
0xf0: {  	vm7 =	vlt.s32 v11, v24;
	vm0 =	vlt.s32 v11, v31;
	[tilespmem:$0x1FFE0] =	vst v2;
	v2 =	vimm.s32 $0x0  }
0xf1: {  	vm6 =	vlt.s32 v11, v25;
	vm13 =	vlt.s32 v11, v20;
	v2 =	vsel vm0, $0xFFFFFFFF, v2  }
0xf2: {  	s5 =	sadd.s32 $0x1, s5;
	vm11 =	vlt.s32 v11, v21;
	vm10 =	vlt.s32 v11, v22;
	vm0 =	vlt.s32 v11, v27;
	[tilespmem:$0x1FFF0] =	vst v2  }
0xf3: {  	v2 =	vld [tilespmem:$0x1FFC0]  }
0xf4: {  	v40 =	vld [tilespmem:$0x1FFB0];
	_ =	sdelay $0x1  }
0xf5: {  	v4 =	vld [tilespmem:$0x1FFA0];
	_ =	sdelay $0x1  }
0xf6: {  	vm1 =	vlt.s32 v11, v19;
	v5 =	vld [tilespmem:$0x1FF90];
	vm2 =	vnez.u8 v2  }
0xf7: {  	vm3 =	vnez.u8 v40;
	vm1 =	vmand vm2, vm1;
	vm2 =	vlt.s32 v11, v18  }
0xf8: {  	v6 =	vld [tilespmem:$0x1FF80];
	vm2 =	vmand vm3, vm2;
	v41 =	vmpcnt.ones.xlane vm1  }
0xf9: {  	vm1 =	vlt.s32 v11, v17;
	v3 =	vmpcnt.ones.xlane vm2;
	vm2 =	vnez.u8 v4  }
0xfa: {  	v7 =	vld [tilespmem:$0x1FF70];
	vm1 =	vmand vm2, vm1  }
0xfb: {  	vm2 =	vlt.s32 v11, v16;
	v42 =	vmpcnt.ones.xlane vm1;
	vm1 =	vnez.u8 v5  }
0xfc: {  	v46 =	vld [tilespmem:$0x1FF60];
	vm1 =	vmand vm1, vm2  }
0xfd: {  	v48 =	vld [tilespmem:$0x1FF50];
	vm2 =	vlt.s32 v11, v15;
	v43 =	vmpcnt.ones.xlane vm1;
	vm1 =	vnez.u8 v6  }
0xfe: {  	v50 =	vld [tilespmem:$0x1FF40];
	v2 =	vadd.s32 v41, v3;
	vm1 =	vmand vm1, vm2  }
0xff: {  	v52 =	vld [tilespmem:$0x1FF30];
	vm2 =	vlt.s32 v11, v14;
	v44 =	vmpcnt.ones.xlane vm1;
	vm1 =	vnez.u8 v7  }
0x100: {  	v54 =	vld [tilespmem:$0x1FF20];
	v2 =	vadd.s32 v42, v2;
	vm1 =	vmand vm1, vm2  }
0x101: {  	v56 =	vld [tilespmem:$0x1FF10];
	vm2 =	vnez.u8 v46;
	v45 =	vmpcnt.ones.xlane vm1;
	vm1 =	vlt.s32 v11, v13  }
0x102: {  	v58 =	vld [tilespmem:$0x1FF00];
	v3 =	vlaneseq.u32;
	v2 =	vadd.s32 v43, v2;
	vm1 =	vmand vm2, vm1  }
0x103: {  	v60 =	vld [tilespmem:$0x1FEF0];
	vm2 =	vlt.s32 v11, v12;
	v47 =	vmpcnt.ones.xlane vm1;
	vm1 =	vnez.u8 v48  }
0x104: {  	v62 =	vld [tilespmem:$0x1FEE0];
	v41 =	vadd.s32 $0x1, v3;
	v2 =	vadd.s32 v44, v2;
	vm1 =	vmand vm1, vm2  }
0x105: {  	v19 =	vld [tilespmem:$0x1FEA0];
	v2 =	vadd.s32 v45, v2;
	v49 =	vmpcnt.ones.xlane vm1;
	vm1 =	vnez.u8 v50  }
0x106: {  	v20 =	vld [tilespmem:$0x1FFE0];
	v2 =	vadd.s32 v47, v2;
	v47 =	vadd.s32 $0x11, v3;
	vm1 =	vmand vm1, vm13  }
0x107: {  	v12 =	vld [tilespmem:$0x1FED0];
	v50 =	vadd.s32 $0x21, v3;
	vm13 =	vnez.u8 v52;
	v51 =	vmpcnt.ones.xlane vm1  }
0x108: {  	v22 =	vld [tilespmem:$0x1FE90];
	vm1 =	vmand vm13, vm11;
	vm13 =	vnez.u8 v54;
	v2 =	vadd.s32 v49, v2  }
0x109: {  	v14 =	vld [tilespmem:$0x1FEC0];
	vm11 =	vnez.u8 v56;
	v53 =	vmpcnt.ones.xlane vm1;
	vm1 =	vmand vm13, vm10  }
0x10a: {  	v23 =	vld [tilespmem:$0x1FFF0];
	vm13 =	vnez.u8 v58;
	vm10 =	vnez.u8 v62;
	v58 =	vadd.s32 $0x51, v3  }
0x10b: {  	v26 =	vld [tilespmem:$0x1FE80];
	v55 =	vmpcnt.ones.xlane vm1;
	vm1 =	vmand vm11, vm8;
	v2 =	vadd.s32 v51, v2  }
0x10c: {  	v17 =	vld [tilespmem:$0x1FFD0];
	vm8 =	vnez.u8 v60;
	vm11 =	vnez.u8 v12;
	v60 =	vadd.s32 $0x61, v3  }
0x10d: {  	v31 =	vld [tilespmem:$0x1FE60];
	v57 =	vmpcnt.ones.xlane vm1;
	vm1 =	vmand vm13, vm7;
	v2 =	vadd.s32 v53, v2  }
0x10e: {  	v24 =	vld [tilespmem:$0x300];
	vm0 =	vmand vm11, vm0;
	vm13 =	vnez.u8 v14;
	vm7 =	vnez.u8 v19  }
0x10f: {  	v16 =	vld [tilespmem:$0x1FEB0];
	vm11 =	vnez.u8 v23;
	v53 =	vadd.s32 $0x31, v3;
	v59 =	vmpcnt.ones.xlane vm1  }
0x110: {  	v27 =	vld [tilespmem:$0x180];
	vm1 =	vmand vm8, vm6;
	v2 =	vadd.s32 v55, v2;
	v13 =	vmpcnt.ones.xlane vm0  }
0x111: {  	v8 =	vld [tilespmem:$0x1FE70];
	vm0 =	vmand vm13, vm15;
	vm6 =	vnez.u8 v17;
	vm8 =	vnez.u8 v20  }
0x112: {  	v29 =	vld [tilespmem:$0x10];
	vm13 =	vnez.u8 v26;
	vm15 =	vnez.u8 v31;
	v61 =	vmpcnt.ones.xlane vm1  }
0x113: {  	v34 =	vld [tilespmem:$0x1FE50];
	vm1 =	vmand vm10, vm5;
	v2 =	vadd.s32 v57, v2;
	v15 =	vmpcnt.ones.xlane vm0  }
0x114: {  	v32 =	vld [tilespmem:$0x310];
	vm5 =	vnez.u8 v16;
	v63 =	vmpcnt.ones.xlane vm1;
	v2 =	vadd.s32 v59, v2  }
0x115: {  	v35 =	vld [tilespmem:$0x190];
	vm10 =	vnez.u8 v22;
	vm0 =	vmand vm5, vm6;
	v2 =	vadd.s32 v61, v2  }
0x116: {  	v37 =	vld [tilespmem:$0x20];
	v18 =	vmpcnt.ones.xlane vm0;
	vm0 =	vmand vm7, vm8;
	v2 =	vadd.s32 v63, v2  }
0x117: {  	v38 =	vld [tilespmem:$0x320];
	v21 =	vmpcnt.ones.xlane vm0;
	vm0 =	vmand vm10, vm11;
	v2 =	vadd.s32 v13, v2  }
0x118: {  	v39 =	vld [tilespmem:$0x1A0];
	vm5 =	vnez.u8 v34;
	v25 =	vmpcnt.ones.xlane vm0;
	v2 =	vadd.s32 v15, v2  }
0x119: {  	v40 =	vld [tilespmem:$0x30];
	vm0 =	vmand vm13, vm14;
	vm14 =	vnez.u8 v8;
	v2 =	vadd.s32 v18, v2  }
0x11a: {  	v44 =	vld [tilespmem:$0x1FFC0];
	v28 =	vmpcnt.ones.xlane vm0;
	vm0 =	vmand vm14, vm12;
	v2 =	vadd.s32 v21, v2  }
0x11b: {  	v42 =	vld [tilespmem:$0x330];
	v30 =	vmpcnt.ones.xlane vm0;
	vm0 =	vmand vm15, vm9;
	v2 =	vadd.s32 v25, v2  }
0x11c: {  	v43 =	vld [tilespmem:$0x1B0];
	v33 =	vmpcnt.ones.xlane vm0;
	vm0 =	vmand vm5, vm4;
	v2 =	vadd.s32 v28, v2  }
0x11d: {  	v46 =	vld [tilespmem:$0x340];
	v26 =	vadd.s32 $0x71, v3;
	v36 =	vmpcnt.ones.xlane vm0;
	v2 =	vadd.s32 v30, v2  }
0x11e: {  	v45 =	vld [tilespmem:$0x40];
	v31 =	vadd.s32 $0x91, v3;
	vm7 =	vgt.s32 v1, v0;
	v2 =	vadd.s32 v33, v2  }
0x11f: {  	v49 =	vld [tilespmem:$0x50];
	vm8 =	vnez.u8 v44;
	vm11 =	vgt.s32 v29, v0;
	v2 =	vadd.s32 v36, v2  }
0x120: {  	v54 =	vld [tilespmem:$0x60];
	vm12 =	veq.s32 v37, v0;
	vm14 =	vgt.s32 v37, v0;
	vm6 =	vlt.s32 v2, v10  }
0x121: {  	v48 =	vld [tilespmem:$0x1C0];
	vm9 =	veq.s32 v29, v0;
	vm15 =	veq.s32 v40, v0;
	v2 =	vsel vm6, v9, v11  }
0x122: {  	v52 =	vld [tilespmem:$0x1D0];
	v21 =	vadd.s32 $0x41, v3;
	v28 =	vadd.s32 $0x81, v3;
	vm0 =	vlt.s32 v2, v41  }
0x123: {  	v56 =	vld [tilespmem:$0x1E0];
	vm10 =	vlt.s32 v2, v47;
	vm13 =	vlt.s32 v2, v50;
	vm6 =	vlt.s32 v2, v53  }
0x124: {  	v62 =	vld [tilespmem:$0x390];
	vm0 =	vmand vm8, vm0;
	vm1 =	vmand vm13, vm12;
	vm2 =	vmand vm6, vm15  }
0x125: {  	v51 =	vld [tilespmem:$0x350];
	vm12 =	veq.s32 v49, v0;
	vm13 =	vlt.s32 v2, v58;
	vm15 =	veq.s32 v54, v0  }
0x126: {  	v23 =	vld [tilespmem:$0x80];
	vm6 =	vlt.s32 v2, v60;
	v58 =	vadd.s32 $0xE1, v3;
	vm0 =	vmor vm7, vm0  }
0x127: {  	v61 =	vld [tilespmem:$0x90];
	vm1 =	vmor vm14, vm1;
	vm7 =	vgt.s32 v40, v0;
	vm14 =	vgt.s32 v49, v0  }
0x128: {  	v55 =	vld [tilespmem:$0x360];
	v5 =	vnsel vm0, $0x3F800000, v24;
	v7 =	vnsel vm0, $0x118, v27;
	vm0 =	vmand vm10, vm9  }
0x129: {  	v20 =	vld [tilespmem:$0x70];
	v14 =	vnsel vm1, $0x3F800000, v38;
	vm8 =	vmor vm7, vm2;
	v8 =	vnsel vm1, $0x118, v39  }
0x12a: {  	v22 =	vld [tilespmem:$0x370];
	vm9 =	veq.s32 v45, v0;
	vm10 =	vlt.s32 v2, v21;
	vm1 =	vmand vm13, vm12  }
0x12b: {  	v57 =	vld [tilespmem:$0x1F0];
	vm2 =	vmand vm6, vm15;
	vm7 =	vgt.s32 v54, v0;
	vm12 =	veq.s32 v23, v0  }
0x12c: {  	v59 =	vld [tilespmem:$0x380];
	vm13 =	vlt.s32 v2, v28;
	vm15 =	veq.s32 v61, v0;
	vm6 =	vlt.s32 v2, v31  }
0x12d: {  	v44 =	vld [tilespmem:$0x3D0];
	v39 =	vadd.s32 $0xA1, v3;
	v54 =	vadd.s32 $0xD1, v3;
	vm0 =	vmor vm11, vm0  }
0x12e: {  	v37 =	vld [tilespmem:$0x3C0];
	v11 =	vnsel vm8, $0x3F800000, v42;
	v9 =	vnsel vm8, $0x118, v43;
	vm11 =	vgt.s32 v45, v0  }
0x12f: {  	v29 =	vld [tilespmem:$0x220];
	vm1 =	vmor vm14, vm1;
	vm8 =	vmor vm7, vm2;
	vm14 =	vgt.s32 v23, v0  }
0x130: {  	v30 =	vld [tilespmem:$0xB0];
	[tilespmem:$0x480] =	vst v5;
	vm2 =	vmand vm6, vm15;
	vm7 =	vgt.s32 v61, v0;
	v43 =	vadd.s32 $0xB1, v3  }
0x131: {  	v25 =	vld [tilespmem:$0x210];
	[tilespmem:$0x600] =	vst v7;
	v61 =	vadd.s32 $0xF1, v3;
	v6 =	vnsel vm0, $0x3F800000, v32;
	v12 =	vnsel vm0, $0x118, v35  }
0x132: {  	v33 =	vld [tilespmem:$0x230];
	[tilespmem:$0x4A0] =	vst v14;
	vm0 =	vmand vm10, vm9;
	v18 =	vnsel vm1, $0x3F800000, v51;
	v4 =	vnsel vm1, $0x118, v52  }
0x133: {  	v47 =	vld [tilespmem:$0xE0];
	[tilespmem:$0x620] =	vst v8;
	v13 =	vnsel vm8, $0x3F800000, v55;
	v63 =	vnsel vm8, $0x118, v56;
	vm9 =	veq.s32 v20, v0  }
0x134: {  	v24 =	vld [tilespmem:$0x200];
	vm10 =	vlt.s32 v2, v26;
	vm1 =	vmand vm13, vm12;
	[tilespmem:$0x4B0] =	vst v11;
	vm8 =	vmor vm7, vm2  }
0x135: {  	v27 =	vld [tilespmem:$0xA0];
	[tilespmem:$0x630] =	vst v9;
	vm12 =	veq.s32 v30, v0;
	vm13 =	vlt.s32 v2, v43;
	vm0 =	vmor vm11, vm0  }
0x136: {  	v50 =	vld [tilespmem:$0x260];
	vm11 =	vgt.s32 v20, v0;
	[tilespmem:$0x490] =	vst v6;
	vm1 =	vmor vm14, vm1;
	v19 =	vnsel vm8, $0x3F800000, v62  }
0x137: {  	v60 =	vld [tilespmem:$0x400];
	[tilespmem:$0x610] =	vst v12;
	v41 =	vnsel vm8, $0x118, v25;
	vm14 =	vgt.s32 v30, v0;
	v30 =	vadd.s32 $0x111, v3  }
0x138: {  	v40 =	vld [tilespmem:$0x240];
	[tilespmem:$0x4D0] =	vst v18;
	v15 =	vnsel vm0, $0x3F800000, v46;
	v17 =	vnsel vm0, $0x118, v48;
	vm0 =	vmand vm10, vm9  }
0x139: {  	v42 =	vld [tilespmem:$0xD0];
	[tilespmem:$0x650] =	vst v4;
	v1 =	vnsel vm1, $0x3F800000, v59;
	vm10 =	vlt.s32 v2, v39;
	v46 =	vadd.s32 $0xC1, v3  }
0x13a: {  	v35 =	vld [tilespmem:$0xC0];
	[tilespmem:$0x4E0] =	vst v13;
	vm0 =	vmor vm11, vm0;
	v38 =	vnsel vm1, $0x118, v24;
	vm9 =	veq.s32 v27, v0  }
0x13b: {  	v32 =	vld [tilespmem:$0x3B0];
	[tilespmem:$0x660] =	vst v63;
	vm11 =	vgt.s32 v27, v0;
	vm1 =	vmand vm13, vm12;
	vm6 =	vlt.s32 v2, v46  }
0x13c: {  	v21 =	vld [tilespmem:$0x410];
	[tilespmem:$0x510] =	vst v19;
	vm12 =	veq.s32 v47, v0;
	vm13 =	vlt.s32 v2, v58;
	v46 =	vadd.s32 $0x141, v3  }
0x13d: {  	v26 =	vld [tilespmem:$0x3A0];
	[tilespmem:$0x690] =	vst v41;
	v34 =	vnsel vm0, $0x3F800000, v22;
	v36 =	vnsel vm0, $0x118, v57;
	vm0 =	vmand vm10, vm9  }
0x13e: {  	v31 =	vld [tilespmem:$0x2A0];
	[tilespmem:$0x4C0] =	vst v15;
	vm1 =	vmor vm14, vm1;
	vm9 =	veq.s32 v42, v0;
	vm10 =	vlt.s32 v2, v54  }
0x13f: {  	v52 =	vld [tilespmem:$0xF0];
	[tilespmem:$0x640] =	vst v17;
	vm14 =	vgt.s32 v47, v0;
	vm0 =	vmor vm11, vm0;
	vm15 =	veq.s32 v35, v0  }
0x140: {  	v63 =	vld [tilespmem:$0x110];
	[tilespmem:$0x500] =	vst v1;
	vm7 =	vgt.s32 v35, v0;
	v12 =	vnsel vm1, $0x3F800000, v32;
	v7 =	vnsel vm1, $0x118, v33  }
0x141: {  	v45 =	vld [tilespmem:$0x250];
	[tilespmem:$0x680] =	vst v38;
	vm11 =	vgt.s32 v42, v0;
	vm1 =	vmand vm13, vm12;
	vm13 =	vlt.s32 v2, v30  }
0x142: {  	v48 =	vld [tilespmem:$0x3E0];
	[tilespmem:$0x4F0] =	vst v34;
	v33 =	vadd.s32 $0x121, v3;
	v42 =	vadd.s32 $0x131, v3;
	v49 =	vnsel vm0, $0x3F800000, v26  }
0x143: {  	v59 =	vld [tilespmem:$0x100];
	[tilespmem:$0x670] =	vst v36;
	vm2 =	vmand vm6, vm15;
	v51 =	vnsel vm0, $0x118, v29;
	vm0 =	vmand vm10, vm9  }
0x144: {  	v23 =	vld [tilespmem:$0x290];
	vm1 =	vmor vm14, vm1;
	vm15 =	veq.s32 v52, v0;
	vm6 =	vlt.s32 v2, v61;
	[tilespmem:$0x530] =	vst v12  }
0x145: {  	v55 =	vld [tilespmem:$0x3F0];
	[tilespmem:$0x6B0] =	vst v7;
	v26 =	vadd.s32 $0x101, v3;
	vm12 =	veq.s32 v63, v0;
	vm14 =	vgt.s32 v63, v0  }
0x146: {  	v43 =	vld [tilespmem:$0x150];
	vm8 =	vmor vm7, vm2;
	vm0 =	vmor vm11, vm0;
	[tilespmem:$0x520] =	vst v49;
	vm2 =	vmand vm6, vm15  }
0x147: {  	v27 =	vld [tilespmem:$0x120];
	[tilespmem:$0x6A0] =	vst v51;
	vm7 =	vgt.s32 v52, v0;
	v4 =	vnsel vm1, $0x3F800000, v48;
	v24 =	vnsel vm1, $0x118, v50  }
0x148: {  	v62 =	vld [tilespmem:$0x280];
	vm9 =	veq.s32 v59, v0;
	vm10 =	vlt.s32 v2, v26;
	vm11 =	vgt.s32 v59, v0;
	[tilespmem:$0x560] =	vst v4  }
0x149: {  	v57 =	vld [tilespmem:$0x270];
	vm1 =	vmand vm13, vm12;
	vm6 =	vlt.s32 v2, v33;
	v53 =	vnsel vm8, $0x3F800000, v37;
	[tilespmem:$0x6E0] =	vst v24  }
0x14a: {  	v39 =	vld [tilespmem:$0x440];
	vm13 =	vlt.s32 v2, v46;
	v49 =	vadd.s32 $0x151, v3;
	v56 =	vnsel vm8, $0x118, v40;
	[tilespmem:$0x540] =	vst v53  }
0x14b: {  	v47 =	vld [tilespmem:$0x450];
	v20 =	vnsel vm0, $0x3F800000, v44;
	v22 =	vnsel vm0, $0x118, v45;
	vm8 =	vmor vm7, vm2;
	[tilespmem:$0x6C0] =	vst v56  }
0x14c: {  	v32 =	vld [tilespmem:$0x130];
	vm0 =	vmand vm10, vm9;
	vm1 =	vmor vm14, vm1;
	vm15 =	veq.s32 v27, v0;
	[tilespmem:$0x550] =	vst v20  }
0x14d: {  	v34 =	vld [tilespmem:$0x430];
	vm7 =	vgt.s32 v27, v0;
	vm10 =	vlt.s32 v2, v42;
	v25 =	vnsel vm8, $0x3F800000, v55;
	[tilespmem:$0x6D0] =	vst v22  }
0x14e: {  	v29 =	vld [tilespmem:$0x420];
	v28 =	vnsel vm8, $0x118, v57;
	vm0 =	vmor vm11, vm0;
	vm2 =	vmand vm6, vm15;
	[tilespmem:$0x570] =	vst v25  }
0x14f: {  	v48 =	vld [tilespmem:$0x2D0];
	v8 =	vnsel vm1, $0x3F800000, v21;
	v40 =	vnsel vm1, $0x118, v23;
	vm15 =	veq.s32 v43, v0;
	[tilespmem:$0x6F0] =	vst v28  }
0x150: {  	v50 =	vld [tilespmem:$0x160];
	vm6 =	vlt.s32 v2, v49;
	v56 =	vadd.s32 $0x161, v3;
	v3 =	vadd.s32 $0x171, v3;
	[tilespmem:$0x590] =	vst v8  }
0x151: {  	v37 =	vld [tilespmem:$0x140];
	v36 =	vnsel vm0, $0x3F800000, v60;
	v38 =	vnsel vm0, $0x118, v62;
	vm8 =	vmor vm7, vm2;
	[tilespmem:$0x710] =	vst v40  }
0x152: {  	v35 =	vld [tilespmem:$0x2B0];
	vm9 =	veq.s32 v32, v0;
	vm11 =	vgt.s32 v32, v0;
	vm2 =	vmand vm6, vm15;
	[tilespmem:$0x580] =	vst v36  }
0x153: {  	v54 =	vld [tilespmem:$0x460];
	vm7 =	vgt.s32 v43, v0;
	v41 =	vnsel vm8, $0x3F800000, v29;
	v44 =	vnsel vm8, $0x118, v31;
	[tilespmem:$0x700] =	vst v38  }
0x154: {  	v52 =	vld [tilespmem:$0x170];
	vm0 =	vmand vm10, vm9;
	vm8 =	vmor vm7, vm2;
	vm10 =	vlt.s32 v2, v56;
	[tilespmem:$0x5A0] =	vst v41  }
0x155: {  	v57 =	vld [tilespmem:$0x2E0];
	vm0 =	vmor vm11, vm0;
	[tilespmem:$0x720] =	vst v44;
	v9 =	vnsel vm8, $0x3F800000, v47;
	v1 =	vnsel vm8, $0x118, v48  }
0x156: {  	v45 =	vld [tilespmem:$0x2C0];
	vm9 =	veq.s32 v50, v0;
	vm11 =	vgt.s32 v50, v0;
	vm12 =	veq.s32 v37, v0;
	[tilespmem:$0x5D0] =	vst v9  }
0x157: {  	v51 =	vnsel vm0, $0x3F800000, v34;
	v4 =	vnsel vm0, $0x118, v35;
	vm0 =	vmand vm10, vm9;
	[tilespmem:$0x750] =	vst v1  }
0x158: {  	v58 =	vld [tilespmem:$0x470];
	vm14 =	vgt.s32 v37, v0;
	vm1 =	vmand vm13, vm12;
	[tilespmem:$0x5B0] =	vst v51;
	vm0 =	vmor vm11, vm0  }
0x159: {  	v59 =	vld [tilespmem:$0x2F0];
	[tilespmem:$0x730] =	vst v4;
	vm12 =	veq.s32 v52, v0;
	vm13 =	vlt.s32 v2, v3;
	v60 =	vnsel vm0, $0x3F800000, v54  }
0x15a: {  	vm1 =	vmor vm14, vm1;
	vm14 =	vgt.s32 v52, v0;
	v61 =	vnsel vm0, $0x118, v57;
	[tilespmem:$0x5E0] =	vst v60  }
0x15b: {  	v53 =	vnsel vm1, $0x3F800000, v39;
	v55 =	vnsel vm1, $0x118, v45;
	vm1 =	vmand vm13, vm12;
	[tilespmem:$0x760] =	vst v61  }
0x15c: {  	[tilespmem:$0x5C0] =	vst v53;
	vm15 =	vmor vm14, vm1  }
0x15d: {  	[tilespmem:$0x740] =	vst v55;
	v62 =	vnsel vm15, $0x3F800000, v58  }
0x15e: {  	s4 =	simm.s32 $0x80;
	v63 =	vnsel vm15, $0x118, v59;
	[tilespmem:$0x5F0] =	vst v62  }
0x15f: {  	s5 =	simm.s32 $0x400;
	s6 =	simm.s32 $0x480;
	s30 =	simm.s32 $0x1;
	[tilespmem:$0x770] =	vst v63  }
0x160: {  	[hbm4b:s3+s4] =	stream.strided.scatter [tilespmem:s6], [sflag:$0x1], $0x180, s5, s4, $0x38;
	[tilespmem:$0x780] =	vst v63  }
0x161: {  	_ =	swait.ge [sflag:s30], $0x180  }
0x162: {  	[sflag:s30] =	ssyncset.done $0x0  }
0x163: {  	s31 =	simm.s32 $0x600;
	[sflag:s30] =	ssyncadd.s32 $0xFFFFFE80  }
0x164: {  	[hbm4b:s2+s4] =	stream.strided.scatter [tilespmem:s31], [sflag:$0x1], $0x180, s5, s4, $0x38;
	[tilespmem:$0x780] =	vst v63  }
0x165: {  	_ =	swait.ge [sflag:s30], $0x180  }
0x166: {  	[sflag:s30] =	ssyncset.done $0x0  }
0x167: {  	[sflag:s30] =	ssyncadd.s32 $0xFFFFFE80  }
.LBB2_6:
0x168: {  	_ =	sfence.sel $0x180000  }
0x169: {  	[bflag:$0x0] =	sbarrier.arrive $0xFFFF  }
0x16a: {  	p0 =	sne.s32 s1, $0x0;
	_ =	strace $0x90000047  }
0x16b: {  	s0 =	sadd.s32 @!p0 $0x100000, s0;
	[bflag:$0x2] =	sbarrier.arrive $0xFFFF  }
0x16c: {  	[sflag:s0] =	ssyncadd.tile.s32 @!p0 $0x1;
	_ =	shalt  }
.Lfunc_end2:
_tile_overlayer_lowered:
.L_overlay_start_2:
0x16d: {  	(tag) =	ssettag $0x2  }
0x16e: {  	s0 =	rddreg [dreg:$0x0];
	s2 =	stileid.u32  }
0x16f: {  	s1 =	rddreg [dreg:$0x1];
	p0 =	sne.s32 s2, $0x0  }
0x170: {  	s3 =	rddreg [dreg:$0x2];
	[bflag:$0x3] =	sbarrier.arrive $0xFFFF;
	s2 =	simm.s32 @!p0 $0x1C01  }
0x171: {  	[timem:s3], [sflag:s2] =	dma.local @!p0 [hbm:s0], s1  }
0x172: {  	s0 =	simm.s32 @!p0 $0x1  }
0x173: {  	_ =	swait.ge @!p0 [sflag:s0], s1  }
0x174: {  	s1 =	ssub.s32 @!p0 $0x0, s1;
	[sflag:s0] =	ssyncset.done @!p0 $0x0  }
0x175: {  	[sflag:s0] =	ssyncadd.s32 @!p0 s1  }
0x176: {  	[bflag:$0x3] =	sbarrier.arrive $0xFFFF  }
0x177: {  	_ =	shalt  }

</sc_bundles>
